<compile_context>
chip_gen: v7x
topology: tpu7x:2x2x1
jax: 0.10.2.dev20260603
libtpu: 0.0.44.dev20260713+nightly
codegen_flags: <defaults>
</compile_context>

<pallas_src>
import functools

import jax
import jax.numpy as jnp
from jax import lax
from jax.experimental import pallas as pl
from jax.experimental.pallas import tpu as pltpu
from jax.experimental.pallas import tpu_sc as plsc

N = 10000
D = 128
E = 320000
NC = 2
NS = 16
NW = NC * NS
EPW = E // NW
B = 40
STEPS = EPW // B
NP = 10240
RPS = NP // NS

def _deg_body(dst_hbm, deg_out, dst_v, hist_v, sem):
    c = lax.axis_index("c")
    s = lax.axis_index("s")
    w = s * NC + c
    pltpu.sync_copy(dst_hbm.at[pl.ds(w * EPW, EPW)], dst_v)

    def zero(k, carry):
        hist_v[pl.ds(k * 16, 16)] = jnp.zeros((16,), jnp.float32)
        return carry

    lax.fori_loop(0, NP // 16, zero, 0)
    one16 = jnp.ones((16,), jnp.float32)

    def step(k, carry):
        plsc.addupdate_scatter(hist_v, [dst_v[pl.ds(k * 16, 16)]], one16)
        return carry

    lax.fori_loop(0, EPW // 16, step, 0)
    pltpu.sync_copy(hist_v, deg_out.at[c, s])


CS = 50
CHUNKS = STEPS // CS
NBUF = 5
LOOK = 3


def _agg_body(x_hbm, src_hbm, dst_hbm, zrow_hbm, dep_hbm, agg_out,
              srcb, dstb, r0, r1, r2, r3, r4,
              g0, g1, g2, g3, g4, s0, s1, s2, s3, s4, agg_sh):
    del dep_hbm
    rows = (r0, r1, r2, r3, r4)
    gsem = (g0, g1, g2, g3, g4)
    ssem = (s0, s1, s2, s3, s4)
    c = lax.axis_index("c")
    s = lax.axis_index("s")
    w = s * NC + c
    pltpu.sync_copy(zrow_hbm.at[pl.ds(s * RPS, RPS)],
                    agg_sh.at[pl.ds(s * RPS, RPS)])
    plsc.subcore_barrier()

    def chunk(cc, carry):
        pltpu.sync_copy(src_hbm.at[pl.ds(w * EPW + cc * CS * B, CS * B)],
                        srcb)
        pltpu.sync_copy(dst_hbm.at[w, cc], dstb)

        def gather(j, b):
            pltpu.async_copy(x_hbm.at[srcb.at[pl.ds(j * B, B)]], rows[b],
                             gsem[b])

        def gather_wait(j, b):
            pltpu.make_async_copy(x_hbm.at[srcb.at[pl.ds(j * B, B)]],
                                  rows[b], gsem[b]).wait()

        def scatter(j, b):
            pltpu.async_copy(rows[b], agg_sh.at[dstb.at[j]], ssem[b],
                             add=True)

        def scatter_wait(j, b):
            pltpu.make_async_copy(rows[b], agg_sh.at[dstb.at[j]],
                                  ssem[b]).wait()

        for j in range(LOOK):
            gather(j, j)

        def group(k, carry2):
            for b in range(NBUF):
                j = k * NBUF + b
                bp = (b + LOOK) % NBUF
                @pl.when(j >= NBUF - LOOK)
                def _():
                    scatter_wait(j - (NBUF - LOOK), bp)

                @pl.when(j + LOOK < CS)
                def _():
                    gather(j + LOOK, bp)

                gather_wait(j, b)
                scatter(j, b)
            return carry2

        lax.fori_loop(0, CS // NBUF, group, 0)
        for j in range(CS - (NBUF - LOOK), CS):
            scatter_wait(j, j % NBUF)
        return carry

    lax.fori_loop(0, CHUNKS, chunk, 0)
    plsc.subcore_barrier()
    pltpu.sync_copy(agg_sh.at[pl.ds(s * RPS, RPS)],
                    agg_out.at[c, pl.ds(s * RPS, RPS)])


@functools.cache
def _build_agg(with_deg):
    mesh = plsc.VectorSubcoreMesh(core_axis_name="c", subcore_axis_name="s")
    if with_deg:
        return pl.kernel(
            _deg_body,
            out_type=[jax.ShapeDtypeStruct((NC, NS, NP), jnp.float32)],
            mesh=mesh,
            compiler_params=pltpu.CompilerParams(needs_layout_passes=False),
            scratch_types=[
                pltpu.VMEM((EPW,), jnp.int32),
                pltpu.VMEM((NP,), jnp.float32),
                pltpu.SemaphoreType.DMA,
            ],
        )
    return pl.kernel(
        _agg_body,
        out_type=[jax.ShapeDtypeStruct((NC, NP, D), jnp.float32)],
        mesh=mesh,
        scratch_types=(
            [pltpu.VMEM((CS * B,), jnp.int32),
             pltpu.VMEM((CS, B), jnp.int32)]
            + [pltpu.VMEM((B, D), jnp.float32)] * NBUF
            + [pltpu.SemaphoreType.DMA] * (2 * NBUF)
            + [pltpu.VMEM_SHARED((NP, D), jnp.float32)]
        ),
    )

MB = 1000


def _dense1_body(x, p, dp, w1, b1, o):
    deg = jnp.maximum(jnp.sum(dp[...], axis=1), 1.0).reshape(MB, 1)
    n1 = (p[0] + p[1]) / deg
    h = (jnp.dot(x[...], w1[0:D, :], preferred_element_type=jnp.float32)
         + jnp.dot(n1, w1[D:2 * D, :], preferred_element_type=jnp.float32)
         + b1[...])
    o[...] = jnp.maximum(h, 0.0)


def _dense2_body(h1, p, dp, w2, b2, wo, bo, o):
    deg = jnp.maximum(jnp.sum(dp[...], axis=1), 1.0).reshape(MB, 1)
    n2 = (p[0] + p[1]) / deg
    h = (jnp.dot(h1[...], w2[0:D, :], preferred_element_type=jnp.float32)
         + jnp.dot(n2, w2[D:2 * D, :], preferred_element_type=jnp.float32)
         + b2[...])
    h = jnp.maximum(h, 0.0)
    logits = jnp.dot(h, wo[...], preferred_element_type=jnp.float32) + bo[...]
    o[...] = jax.nn.sigmoid(logits)


_row = lambda i: (i, 0)
_rep = lambda i: (0, 0)

_dense1 = pl.pallas_call(
    _dense1_body,
    grid=(N // MB,),
    in_specs=[
        pl.BlockSpec((MB, D), _row),
        pl.BlockSpec((NC, MB, D), lambda i: (0, i, 0)),
        pl.BlockSpec((MB, NW), _row),
        pl.BlockSpec((2 * D, D), _rep),
        pl.BlockSpec((1, D), _rep),
    ],
    out_specs=pl.BlockSpec((MB, D), _row),
    out_shape=jax.ShapeDtypeStruct((N, D), jnp.float32),
)

_dense2 = pl.pallas_call(
    _dense2_body,
    grid=(N // MB,),
    in_specs=[
        pl.BlockSpec((MB, D), _row),
        pl.BlockSpec((NC, MB, D), lambda i: (0, i, 0)),
        pl.BlockSpec((MB, NW), _row),
        pl.BlockSpec((2 * D, D), _rep),
        pl.BlockSpec((1, D), _rep),
        pl.BlockSpec((D, 1), _rep),
        pl.BlockSpec((1, 1), _rep),
    ],
    out_specs=pl.BlockSpec((MB, 1), _row),
    out_shape=jax.ShapeDtypeStruct((N, 1), jnp.float32),
)


def kernel(x, edge_index, W1, b1, W2, b2, Wo, bo):
    src = edge_index[0].astype(jnp.int32)
    dstf = edge_index[1].astype(jnp.int32)
    dst = dstf.reshape(NW, CHUNKS, CS, B)
    zrow = jnp.zeros((NP, D), jnp.float32)

    deg = _build_agg(True)(dstf)
    if isinstance(deg, (list, tuple)):
        deg = deg[0]
    degp = deg.reshape(NW, NP)[:, :N].T
    dep = degp[:8, :NW]
    agg1 = _build_agg(False)(x, src, dst, zrow, dep)
    if isinstance(agg1, (list, tuple)):
        agg1 = agg1[0]
    h1 = _dense1(x, agg1, degp, W1, b1.reshape(1, D))
    agg2 = _build_agg(False)(h1, src, dst, zrow, dep)
    if isinstance(agg2, (list, tuple)):
        agg2 = agg2[0]
    out = _dense2(h1, agg2, degp, W2, b2.reshape(1, D), Wo,
                  bo.reshape(1, 1))
    return out

# --- scband reference (transcript-rebuilt; emitter-appended) ---
"""Pipeline reference for scband-graph-sagefraud-detector-80522046865741 (READ-ONLY COPY).

The authoritative reference and input builder live on the scoring server;
editing this copy changes nothing except your own understanding.
"""

import jax, jax.numpy as jnp
import numpy as np

N_NODES = 10000
N_EDGES = 320000
D_IN = 128
D_HID = 128

def setup_inputs(seed: int = 0) -> dict:
    key = jax.random.key(seed)
    ks = jax.random.split(key, 9)
    x = jax.random.normal(ks[0], (N_NODES, D_IN), dtype=jnp.float32)
    edge_index = jax.random.randint(ks[1], (2, N_EDGES), 0, N_NODES, dtype=jnp.int64 if jax.config.jax_enable_x64 else jnp.int32)
    W1 = jax.random.normal(ks[2], (2 * D_IN, D_HID), dtype=jnp.float32) * 0.05
    b1 = jnp.zeros((D_HID,), dtype=jnp.float32)
    W2 = jax.random.normal(ks[3], (2 * D_HID, D_HID), dtype=jnp.float32) * 0.05
    b2 = jnp.zeros((D_HID,), dtype=jnp.float32)
    Wo = jax.random.normal(ks[4], (D_HID, 1), dtype=jnp.float32) * 0.05
    bo = jnp.zeros((1,), dtype=jnp.float32)
    return {"x": x, "edge_index": edge_index, "W1": W1, "b1": b1, "W2": W2, "b2": b2, "Wo": Wo, "bo": bo}

def _aggregate(x, edge_index):
    src = edge_index[0]
    dst = edge_index[1]
    agg = jnp.zeros_like(x).at[dst].add(x[src])
    deg = jnp.zeros((x.shape[0], 1), dtype=x.dtype).at[dst].add(1.0)
    return agg / jnp.maximum(deg, 1.0)

def reference(x, edge_index, W1, b1, W2, b2, Wo, bo):
    # layer 1
    n1 = _aggregate(x, edge_index)
    h1 = jnp.concatenate([x, n1], axis=1)
    h1 = jax.nn.relu(h1 @ W1 + b1)
    # dropout p=0.0 -> identity
    # layer 2
    n2 = _aggregate(h1, edge_index)
    h2 = jnp.concatenate([h1, n2], axis=1)
    h2 = jax.nn.relu(h2 @ W2 + b2)
    logits = h2 @ Wo + bo
    return jax.nn.sigmoid(logits)

if __name__ == "__main__":
    import jax
    _d = setup_inputs()
    print(jax.jit(kernel)(*tuple(_d.values())))

</pallas_src>

<mosaic_0001>
#map = affine_map<(d0, d1) -> (0)>
#map1 = affine_map<(d0, d1) -> (0, 0, 0)>
module attributes {stable_mosaic.version = 14 : i64} {
  func.func @_deg_body(%arg0: i32, %arg1: i32, %arg2: memref<320000xi32, #tpu.memory_space<hbm>>, %arg3: memref<2x16x10240xf32, #tpu.memory_space<hbm>>, %arg4: memref<10000xi32, #tpu.memory_space<vmem>>, %arg5: memref<10240xf32, #tpu.memory_space<vmem>>, %arg6: memref<!tpu.dma_semaphore, #tpu.memory_space<semaphore_mem>>) attributes {dimension_semantics = [#tpu.dimension_semantics<core_parallel>, #tpu.dimension_semantics<subcore_parallel>], iteration_bounds = array<i64: 2, 16>, scalar_prefetch = 0 : i64, scratch_operands = 3 : i64, tpu.core_type = #tpu.core_type<sc_vector_subcore>, window_params = [{transform_indices = #map}, {transform_indices = #map1}]} {
    %mul3A = arith.constant 2 : i32
    %mul3A_0 = arith.muli %arg1, %mul3A : i32
    %add3A = arith.addi %mul3A_0, %arg0 : i32
    %mul3A_1 = arith.constant 10000 : i32
    %mul3A_2 = arith.muli %add3A, %mul3A_1 : i32
    "tpu.region"() ({
      %run_scoped3A = tpu.sem_alloc : memref<!tpu.dma_semaphore, #tpu.memory_space<semaphore_mem>>
      %dma_start3A = tpu.memref_slice %arg2[%mul3A_2] : memref<320000xi32, #tpu.memory_space<hbm>> -> memref<10000xi32, #tpu.memory_space<hbm>>
      %dma_start3A_15 = tpu.memref_slice %arg2[%mul3A_2] : memref<320000xi32, #tpu.memory_space<hbm>> -> memref<10000xi32, #tpu.memory_space<hbm>>
      tpu.enqueue_dma source(%dma_start3A_15 : memref<10000xi32, #tpu.memory_space<hbm>>) target(%arg4 : memref<10000xi32, #tpu.memory_space<vmem>>) target_semaphore(%run_scoped3A : memref<!tpu.dma_semaphore, #tpu.memory_space<semaphore_mem>>)
      %dma_wait3A = tpu.memref_slice %arg2[%mul3A_2] : memref<320000xi32, #tpu.memory_space<hbm>> -> memref<10000xi32, #tpu.memory_space<hbm>>
      %dma_wait3A_16 = tpu.memref_slice %arg2[%mul3A_2] : memref<320000xi32, #tpu.memory_space<hbm>> -> memref<10000xi32, #tpu.memory_space<hbm>>
      tpu.wait_dma2 semaphore(%run_scoped3A : memref<!tpu.dma_semaphore, #tpu.memory_space<semaphore_mem>>) src(%dma_wait3A_16 : memref<10000xi32, #tpu.memory_space<hbm>>) dst(%arg4 : memref<10000xi32, #tpu.memory_space<vmem>>)
      tpu.yield
    }) : () -> ()
    %scan3A = arith.constant 0 : i32
    %scan3A_3 = arith.constant 0 : i32
    %scan3A_4 = arith.constant 640 : i32
    %scan3A_5 = arith.addi %scan3A_3, %scan3A_4 : i32
    %scan3A_6 = arith.constant 1 : i32
    scf.for %scan3A_15 = %scan3A_3 to %scan3A_5 step %scan3A_6  : i32 {
      %broadcast_in_dim3A_16 = arith.constant 0.000000e+00 : f32
      %broadcast_in_dim3A_17 = vector.broadcast %broadcast_in_dim3A_16 : f32 to vector<16xf32>
      %mul3A_18 = arith.constant 16 : i32
      %mul3A_19 = arith.muli %scan3A_15, %mul3A_18 : i32
      %swap3A = arith.index_cast %mul3A_19 : i32 to index
      %swap3A_20 = tpu.vector_load %arg5[%swap3A] {strides = array<i32>} : memref<10240xf32, #tpu.memory_space<vmem>>, vector<16xf32>,
      tpu.vector_store %arg5[%swap3A], %broadcast_in_dim3A_17 {strides = array<i32>} : memref<10240xf32, #tpu.memory_space<vmem>>, vector<16xf32>,
    }
    %scan3A_7 = arith.constant 640 : i32
    %broadcast_in_dim3A = arith.constant 1.000000e+00 : f32
    %broadcast_in_dim3A_8 = vector.broadcast %broadcast_in_dim3A : f32 to vector<16xf32>
    %scan3A_9 = arith.constant 0 : i32
    %scan3A_10 = arith.constant 0 : i32
    %scan3A_11 = arith.constant 625 : i32
    %scan3A_12 = arith.addi %scan3A_10, %scan3A_11 : i32
    %scan3A_13 = arith.constant 1 : i32
    scf.for %scan3A_15 = %scan3A_10 to %scan3A_12 step %scan3A_13  : i32 {
      %mul3A_16 = arith.constant 16 : i32
      %mul3A_17 = arith.muli %scan3A_15, %mul3A_16 : i32
      %get3A = arith.index_cast %mul3A_17 : i32 to index
      %get3A_18 = tpu.vector_load %arg4[%get3A] {strides = array<i32>} : memref<10000xi32, #tpu.memory_space<vmem>>, vector<16xi32>,
      tpu.vector_store_idx %arg5[%get3A_18], %broadcast_in_dim3A_8 {add = true} : memref<10240xf32, #tpu.memory_space<vmem>>[vector<16xi32>], vector<16xf32>,
    }
    %scan3A_14 = arith.constant 625 : i32
    "tpu.region"() ({
      %run_scoped3A = tpu.sem_alloc : memref<!tpu.dma_semaphore, #tpu.memory_space<semaphore_mem>>
      %dma_start3A = arith.constant 0 : i32
      %dma_start3A_15 = tpu.memref_slice %arg3[%arg0, %arg1, %dma_start3A] : memref<2x16x10240xf32, #tpu.memory_space<hbm>> -> memref<1x1x10240xf32, #tpu.memory_space<hbm>>
      %dma_start3A_16 = tpu.memref_squeeze %dma_start3A_15 : memref<1x1x10240xf32, #tpu.memory_space<hbm>> -> memref<10240xf32, #tpu.memory_space<hbm>>
      %dma_start3A_17 = arith.constant 0 : i32
      %dma_start3A_18 = tpu.memref_slice %arg3[%arg0, %arg1, %dma_start3A_17] : memref<2x16x10240xf32, #tpu.memory_space<hbm>> -> memref<1x1x10240xf32, #tpu.memory_space<hbm>>
      %dma_start3A_19 = tpu.memref_squeeze %dma_start3A_18 : memref<1x1x10240xf32, #tpu.memory_space<hbm>> -> memref<10240xf32, #tpu.memory_space<hbm>>
      tpu.enqueue_dma source(%arg5 : memref<10240xf32, #tpu.memory_space<vmem>>) target(%dma_start3A_19 : memref<10240xf32, #tpu.memory_space<hbm>>) target_semaphore(%run_scoped3A : memref<!tpu.dma_semaphore, #tpu.memory_space<semaphore_mem>>)
      %dma_wait3A = arith.constant 0 : i32
      %dma_wait3A_20 = tpu.memref_slice %arg3[%arg0, %arg1, %dma_wait3A] : memref<2x16x10240xf32, #tpu.memory_space<hbm>> -> memref<1x1x10240xf32, #tpu.memory_space<hbm>>
      %dma_wait3A_21 = tpu.memref_squeeze %dma_wait3A_20 : memref<1x1x10240xf32, #tpu.memory_space<hbm>> -> memref<10240xf32, #tpu.memory_space<hbm>>
      %dma_wait3A_22 = arith.constant 0 : i32
      %dma_wait3A_23 = tpu.memref_slice %arg3[%arg0, %arg1, %dma_wait3A_22] : memref<2x16x10240xf32, #tpu.memory_space<hbm>> -> memref<1x1x10240xf32, #tpu.memory_space<hbm>>
      %dma_wait3A_24 = tpu.memref_squeeze %dma_wait3A_23 : memref<1x1x10240xf32, #tpu.memory_space<hbm>> -> memref<10240xf32, #tpu.memory_space<hbm>>
      tpu.wait_dma2 semaphore(%run_scoped3A : memref<!tpu.dma_semaphore, #tpu.memory_space<semaphore_mem>>) src(%arg5 : memref<10240xf32, #tpu.memory_space<vmem>>) dst(%dma_wait3A_24 : memref<10240xf32, #tpu.memory_space<hbm>>)
      tpu.yield
    }) : () -> ()
    return
  }
}

#map = affine_map<(d0, d1) -> (0, 0)>
#map1 = affine_map<(d0, d1) -> (0)>
#map2 = affine_map<(d0, d1) -> (0, 0, 0, 0)>
#map3 = affine_map<(d0, d1) -> (0, 0, 0)>
module attributes {stable_mosaic.version = 14 : i64} {
  func.func @_agg_body(%arg0: i32, %arg1: i32, %arg2: memref<10000x128xf32, #tpu.memory_space<hbm>>, %arg3: memref<320000xi32, #tpu.memory_space<hbm>>, %arg4: memref<32x5x50x40xi32, #tpu.memory_space<hbm>>, %arg5: memref<10240x128xf32, #tpu.memory_space<hbm>>, %arg6: memref<8x32xf32, #tpu.memory_space<hbm>>, %arg7: memref<2x10240x128xf32, #tpu.memory_space<hbm>>, %arg8: memref<2000xi32, #tpu.memory_space<vmem>>, %arg9: memref<50x40xi32, #tpu.memory_space<vmem>>, %arg10: memref<40x128xf32, #tpu.memory_space<vmem>>, %arg11: memref<40x128xf32, #tpu.memory_space<vmem>>, %arg12: memref<40x128xf32, #tpu.memory_space<vmem>>, %arg13: memref<40x128xf32, #tpu.memory_space<vmem>>, %arg14: memref<40x128xf32, #tpu.memory_space<vmem>>, %arg15: memref<!tpu.dma_semaphore, #tpu.memory_space<semaphore_mem>>, %arg16: memref<!tpu.dma_semaphore, #tpu.memory_space<semaphore_mem>>, %arg17: memref<!tpu.dma_semaphore, #tpu.memory_space<semaphore_mem>>, %arg18: memref<!tpu.dma_semaphore, #tpu.memory_space<semaphore_mem>>, %arg19: memref<!tpu.dma_semaphore, #tpu.memory_space<semaphore_mem>>, %arg20: memref<!tpu.dma_semaphore, #tpu.memory_space<semaphore_mem>>, %arg21: memref<!tpu.dma_semaphore, #tpu.memory_space<semaphore_mem>>, %arg22: memref<!tpu.dma_semaphore, #tpu.memory_space<semaphore_mem>>, %arg23: memref<!tpu.dma_semaphore, #tpu.memory_space<semaphore_mem>>, %arg24: memref<!tpu.dma_semaphore, #tpu.memory_space<semaphore_mem>>, %arg25: memref<10240x128xf32, #tpu.memory_space<vmem_shared>>) attributes {dimension_semantics = [#tpu.dimension_semantics<core_parallel>, #tpu.dimension_semantics<subcore_parallel>], iteration_bounds = array<i64: 2, 16>, scalar_prefetch = 0 : i64, scratch_operands = 18 : i64, tpu.core_type = #tpu.core_type<sc_vector_subcore>, window_params = [{transform_indices = #map}, {transform_indices = #map1}, {transform_indices = #map2}, {transform_indices = #map}, {transform_indices = #map}, {transform_indices = #map3}]} {
    %mul3A = arith.constant 2 : i32
    %mul3A_0 = arith.muli %arg1, %mul3A : i32
    %add3A = arith.addi %mul3A_0, %arg0 : i32
    %mul3A_1 = arith.constant 640 : i32
    %mul3A_2 = arith.muli %arg1, %mul3A_1 : i32
    %mul3A_3 = arith.constant 640 : i32
    %mul3A_4 = arith.muli %arg1, %mul3A_3 : i32
    "tpu.region"() ({
      %run_scoped3A = tpu.sem_alloc : memref<!tpu.dma_semaphore, #tpu.memory_space<semaphore_mem>>
      %dma_start3A = arith.constant 0 : i32
      %dma_start3A_15 = tpu.memref_slice %arg25[%mul3A_4, %dma_start3A] : memref<10240x128xf32, #tpu.memory_space<vmem_shared>> -> memref<640x128xf32, #tpu.memory_space<vmem_shared>>
      %dma_start3A_16 = arith.constant 0 : i32
      %dma_start3A_17 = tpu.memref_slice %arg5[%mul3A_2, %dma_start3A_16] : memref<10240x128xf32, #tpu.memory_space<hbm>> -> memref<640x128xf32, #tpu.memory_space<hbm>>
      tpu.enqueue_dma source(%dma_start3A_17 : memref<640x128xf32, #tpu.memory_space<hbm>>) target(%dma_start3A_15 : memref<640x128xf32, #tpu.memory_space<vmem_shared>>) target_semaphore(%run_scoped3A : memref<!tpu.dma_semaphore, #tpu.memory_space<semaphore_mem>>)
      %dma_wait3A = arith.constant 0 : i32
      %dma_wait3A_18 = tpu.memref_slice %arg25[%mul3A_4, %dma_wait3A] : memref<10240x128xf32, #tpu.memory_space<vmem_shared>> -> memref<640x128xf32, #tpu.memory_space<vmem_shared>>
      %dma_wait3A_19 = arith.constant 0 : i32
      %dma_wait3A_20 = tpu.memref_slice %arg5[%mul3A_2, %dma_wait3A_19] : memref<10240x128xf32, #tpu.memory_space<hbm>> -> memref<640x128xf32, #tpu.memory_space<hbm>>
      tpu.wait_dma2 semaphore(%run_scoped3A : memref<!tpu.dma_semaphore, #tpu.memory_space<semaphore_mem>>) src(%dma_wait3A_20 : memref<640x128xf32, #tpu.memory_space<hbm>>) dst(%dma_wait3A_18 : memref<640x128xf32, #tpu.memory_space<vmem_shared>>)
      tpu.yield
    }) : () -> ()
    %barrier3A = arith.constant 0 : index
    tpu.barrier barrier_id(%barrier3A)
    %scan3A = arith.constant 0 : i32
    %scan3A_5 = arith.constant 0 : i32
    %scan3A_6 = arith.constant 5 : i32
    %scan3A_7 = arith.addi %scan3A_5, %scan3A_6 : i32
    %scan3A_8 = arith.constant 1 : i32
    scf.for %scan3A_15 = %scan3A_5 to %scan3A_7 step %scan3A_8  : i32 {
      %mul3A_16 = arith.constant 10000 : i32
      %mul3A_17 = arith.muli %add3A, %mul3A_16 : i32
      %mul3A_18 = arith.constant 50 : i32
      %mul3A_19 = arith.muli %scan3A_15, %mul3A_18 : i32
      %mul3A_20 = arith.constant 40 : i32
      %mul3A_21 = arith.muli %mul3A_19, %mul3A_20 : i32
      %add3A_22 = arith.addi %mul3A_17, %mul3A_21 : i32
      "tpu.region"() ({
        %run_scoped3A = tpu.sem_alloc : memref<!tpu.dma_semaphore, #tpu.memory_space<semaphore_mem>>
        %dma_start3A_56 = tpu.memref_slice %arg3[%add3A_22] : memref<320000xi32, #tpu.memory_space<hbm>> -> memref<2000xi32, #tpu.memory_space<hbm>>
        %dma_start3A_57 = tpu.memref_slice %arg3[%add3A_22] : memref<320000xi32, #tpu.memory_space<hbm>> -> memref<2000xi32, #tpu.memory_space<hbm>>
        tpu.enqueue_dma source(%dma_start3A_57 : memref<2000xi32, #tpu.memory_space<hbm>>) target(%arg8 : memref<2000xi32, #tpu.memory_space<vmem>>) target_semaphore(%run_scoped3A : memref<!tpu.dma_semaphore, #tpu.memory_space<semaphore_mem>>)
        %dma_wait3A_58 = tpu.memref_slice %arg3[%add3A_22] : memref<320000xi32, #tpu.memory_space<hbm>> -> memref<2000xi32, #tpu.memory_space<hbm>>
        %dma_wait3A_59 = tpu.memref_slice %arg3[%add3A_22] : memref<320000xi32, #tpu.memory_space<hbm>> -> memref<2000xi32, #tpu.memory_space<hbm>>
        tpu.wait_dma2 semaphore(%run_scoped3A : memref<!tpu.dma_semaphore, #tpu.memory_space<semaphore_mem>>) src(%dma_wait3A_59 : memref<2000xi32, #tpu.memory_space<hbm>>) dst(%arg8 : memref<2000xi32, #tpu.memory_space<vmem>>)
        tpu.yield
      }) : () -> ()
      "tpu.region"() ({
        %run_scoped3A = tpu.sem_alloc : memref<!tpu.dma_semaphore, #tpu.memory_space<semaphore_mem>>
        %dma_start3A_56 = arith.constant 0 : i32
        %dma_start3A_57 = arith.constant 0 : i32
        %dma_start3A_58 = tpu.memref_slice %arg4[%add3A, %scan3A_15, %dma_start3A_56, %dma_start3A_57] : memref<32x5x50x40xi32, #tpu.memory_space<hbm>> -> memref<1x1x50x40xi32, #tpu.memory_space<hbm>>
        %dma_start3A_59 = tpu.memref_squeeze %dma_start3A_58 : memref<1x1x50x40xi32, #tpu.memory_space<hbm>> -> memref<50x40xi32, #tpu.memory_space<hbm>>
        %dma_start3A_60 = arith.constant 0 : i32
        %dma_start3A_61 = arith.constant 0 : i32
        %dma_start3A_62 = tpu.memref_slice %arg4[%add3A, %scan3A_15, %dma_start3A_60, %dma_start3A_61] : memref<32x5x50x40xi32, #tpu.memory_space<hbm>> -> memref<1x1x50x40xi32, #tpu.memory_space<hbm>>
        %dma_start3A_63 = tpu.memref_squeeze %dma_start3A_62 : memref<1x1x50x40xi32, #tpu.memory_space<hbm>> -> memref<50x40xi32, #tpu.memory_space<hbm>>
        tpu.enqueue_dma source(%dma_start3A_63 : memref<50x40xi32, #tpu.memory_space<hbm>>) target(%arg9 : memref<50x40xi32, #tpu.memory_space<vmem>>) target_semaphore(%run_scoped3A : memref<!tpu.dma_semaphore, #tpu.memory_space<semaphore_mem>>)
        %dma_wait3A_64 = arith.constant 0 : i32
        %dma_wait3A_65 = arith.constant 0 : i32
        %dma_wait3A_66 = tpu.memref_slice %arg4[%add3A, %scan3A_15, %dma_wait3A_64, %dma_wait3A_65] : memref<32x5x50x40xi32, #tpu.memory_space<hbm>> -> memref<1x1x50x40xi32, #tpu.memory_space<hbm>>
        %dma_wait3A_67 = tpu.memref_squeeze %dma_wait3A_66 : memref<1x1x50x40xi32, #tpu.memory_space<hbm>> -> memref<50x40xi32, #tpu.memory_space<hbm>>
        %dma_wait3A_68 = arith.constant 0 : i32
        %dma_wait3A_69 = arith.constant 0 : i32
        %dma_wait3A_70 = tpu.memref_slice %arg4[%add3A, %scan3A_15, %dma_wait3A_68, %dma_wait3A_69] : memref<32x5x50x40xi32, #tpu.memory_space<hbm>> -> memref<1x1x50x40xi32, #tpu.memory_space<hbm>>
        %dma_wait3A_71 = tpu.memref_squeeze %dma_wait3A_70 : memref<1x1x50x40xi32, #tpu.memory_space<hbm>> -> memref<50x40xi32, #tpu.memory_space<hbm>>
        tpu.wait_dma2 semaphore(%run_scoped3A : memref<!tpu.dma_semaphore, #tpu.memory_space<semaphore_mem>>) src(%dma_wait3A_71 : memref<50x40xi32, #tpu.memory_space<hbm>>) dst(%arg9 : memref<50x40xi32, #tpu.memory_space<vmem>>)
        tpu.yield
      }) : () -> ()
      %dma_start3A = arith.constant 0 : i32
      %dma_start3A_23 = tpu.memref_slice %arg8[%dma_start3A] : memref<2000xi32, #tpu.memory_space<vmem>> -> memref<40xi32, #tpu.memory_space<vmem>>
      %dma_start3A_24 = arith.constant 0 : i32
      %dma_start3A_25 = arith.constant 0 : i32
      %dma_start3A_26 = tpu.memref_slice %arg2[%dma_start3A_24, %dma_start3A_25] : memref<10000x128xf32, #tpu.memory_space<hbm>> -> memref<10000x128xf32, #tpu.memory_space<hbm>>
      tpu.enqueue_indirect_dma source(%dma_start3A_26 : memref<10000x128xf32, #tpu.memory_space<hbm>>) target(%arg10 : memref<40x128xf32, #tpu.memory_space<vmem>>) offsets(%dma_start3A_23 : memref<40xi32, #tpu.memory_space<vmem>>) semaphore(%arg15 : memref<!tpu.dma_semaphore, #tpu.memory_space<semaphore_mem>>)
      %dma_start3A_27 = arith.constant 40 : i32
      %dma_start3A_28 = tpu.memref_slice %arg8[%dma_start3A_27] : memref<2000xi32, #tpu.memory_space<vmem>> -> memref<40xi32, #tpu.memory_space<vmem>>
      %dma_start3A_29 = arith.constant 0 : i32
      %dma_start3A_30 = arith.constant 0 : i32
      %dma_start3A_31 = tpu.memref_slice %arg2[%dma_start3A_29, %dma_start3A_30] : memref<10000x128xf32, #tpu.memory_space<hbm>> -> memref<10000x128xf32, #tpu.memory_space<hbm>>
      tpu.enqueue_indirect_dma source(%dma_start3A_31 : memref<10000x128xf32, #tpu.memory_space<hbm>>) target(%arg11 : memref<40x128xf32, #tpu.memory_space<vmem>>) offsets(%dma_start3A_28 : memref<40xi32, #tpu.memory_space<vmem>>) semaphore(%arg16 : memref<!tpu.dma_semaphore, #tpu.memory_space<semaphore_mem>>)
      %dma_start3A_32 = arith.constant 80 : i32
      %dma_start3A_33 = tpu.memref_slice %arg8[%dma_start3A_32] : memref<2000xi32, #tpu.memory_space<vmem>> -> memref<40xi32, #tpu.memory_space<vmem>>
      %dma_start3A_34 = arith.constant 0 : i32
      %dma_start3A_35 = arith.constant 0 : i32
      %dma_start3A_36 = tpu.memref_slice %arg2[%dma_start3A_34, %dma_start3A_35] : memref<10000x128xf32, #tpu.memory_space<hbm>> -> memref<10000x128xf32, #tpu.memory_space<hbm>>
      tpu.enqueue_indirect_dma source(%dma_start3A_36 : memref<10000x128xf32, #tpu.memory_space<hbm>>) target(%arg12 : memref<40x128xf32, #tpu.memory_space<vmem>>) offsets(%dma_start3A_33 : memref<40xi32, #tpu.memory_space<vmem>>) semaphore(%arg17 : memref<!tpu.dma_semaphore, #tpu.memory_space<semaphore_mem>>)
      %scan3A_37 = arith.constant 0 : i32
      %scan3A_38 = arith.constant 0 : i32
      %scan3A_39 = arith.constant 10 : i32
      %scan3A_40 = arith.addi %scan3A_38, %scan3A_39 : i32
      %scan3A_41 = arith.constant 1 : i32
      scf.for %scan3A_56 = %scan3A_38 to %scan3A_40 step %scan3A_41  : i32 {
        %mul3A_57 = arith.constant 5 : i32
        %mul3A_58 = arith.muli %scan3A_56, %mul3A_57 : i32
        %add3A_59 = arith.constant 0 : i32
        %add3A_60 = arith.addi %mul3A_58, %add3A_59 : i32
        %ge3A = arith.constant 2 : i32
        %ge3A_61 = arith.cmpi sge, %add3A_60, %ge3A : i32
        %convert_element_type3A = arith.extui %ge3A_61 : i1 to i32
        %cond3A = arith.constant 0 : i32
        %cond3A_62 = arith.cmpi ne, %convert_element_type3A, %cond3A : i32
        scf.if %cond3A_62 {
          %sub3A = arith.constant 2 : i32
          %sub3A_193 = arith.subi %add3A_60, %sub3A : i32
          %dma_wait3A_194 = arith.constant 0 : i32
          %dma_wait3A_195 = tpu.memref_slice %arg9[%sub3A_193, %dma_wait3A_194] : memref<50x40xi32, #tpu.memory_space<vmem>> -> memref<1x40xi32, #tpu.memory_space<vmem>>
          %dma_wait3A_196 = tpu.memref_squeeze %dma_wait3A_195 : memref<1x40xi32, #tpu.memory_space<vmem>> -> memref<40xi32, #tpu.memory_space<vmem>>
          %dma_wait3A_197 = arith.constant 0 : i32
          %dma_wait3A_198 = arith.constant 0 : i32
          %dma_wait3A_199 = tpu.memref_slice %arg25[%dma_wait3A_197, %dma_wait3A_198] : memref<10240x128xf32, #tpu.memory_space<vmem_shared>> -> memref<10240x128xf32, #tpu.memory_space<vmem_shared>>
          tpu.wait_indirect_dma semaphore(%arg23 : memref<!tpu.dma_semaphore, #tpu.memory_space<semaphore_mem>>) src(%arg13 : memref<40x128xf32, #tpu.memory_space<vmem>>) dst(%dma_wait3A_199 : memref<10240x128xf32, #tpu.memory_space<vmem_shared>>)
        } else {
        }
        %add3A_63 = arith.constant 3 : i32
        %add3A_64 = arith.addi %add3A_60, %add3A_63 : i32
        %lt3A = arith.constant 50 : i32
        %lt3A_65 = arith.cmpi slt, %add3A_64, %lt3A : i32
        %convert_element_type3A_66 = arith.extui %lt3A_65 : i1 to i32
        %cond3A_67 = arith.constant 0 : i32
        %cond3A_68 = arith.cmpi ne, %convert_element_type3A_66, %cond3A_67 : i32
        scf.if %cond3A_68 {
          %add3A_193 = arith.constant 3 : i32
          %add3A_194 = arith.addi %add3A_60, %add3A_193 : i32
          %mul3A_195 = arith.constant 40 : i32
          %mul3A_196 = arith.muli %add3A_194, %mul3A_195 : i32
          %dma_start3A_197 = tpu.memref_slice %arg8[%mul3A_196] : memref<2000xi32, #tpu.memory_space<vmem>> -> memref<40xi32, #tpu.memory_space<vmem>>
          %dma_start3A_198 = arith.constant 0 : i32
          %dma_start3A_199 = arith.constant 0 : i32
          %dma_start3A_200 = tpu.memref_slice %arg2[%dma_start3A_198, %dma_start3A_199] : memref<10000x128xf32, #tpu.memory_space<hbm>> -> memref<10000x128xf32, #tpu.memory_space<hbm>>
          tpu.enqueue_indirect_dma source(%dma_start3A_200 : memref<10000x128xf32, #tpu.memory_space<hbm>>) target(%arg13 : memref<40x128xf32, #tpu.memory_space<vmem>>) offsets(%dma_start3A_197 : memref<40xi32, #tpu.memory_space<vmem>>) semaphore(%arg18 : memref<!tpu.dma_semaphore, #tpu.memory_space<semaphore_mem>>)
        } else {
        }
        %mul3A_69 = arith.constant 40 : i32
        %mul3A_70 = arith.muli %add3A_60, %mul3A_69 : i32
        %dma_wait3A_71 = tpu.memref_slice %arg8[%mul3A_70] : memref<2000xi32, #tpu.memory_space<vmem>> -> memref<40xi32, #tpu.memory_space<vmem>>
        %dma_wait3A_72 = arith.constant 0 : i32
        %dma_wait3A_73 = arith.constant 0 : i32
        %dma_wait3A_74 = tpu.memref_slice %arg2[%dma_wait3A_72, %dma_wait3A_73] : memref<10000x128xf32, #tpu.memory_space<hbm>> -> memref<10000x128xf32, #tpu.memory_space<hbm>>
        tpu.wait_indirect_dma semaphore(%arg15 : memref<!tpu.dma_semaphore, #tpu.memory_space<semaphore_mem>>) src(%dma_wait3A_74 : memref<10000x128xf32, #tpu.memory_space<hbm>>) dst(%arg10 : memref<40x128xf32, #tpu.memory_space<vmem>>)
        %dma_start3A_75 = arith.constant 0 : i32
        %dma_start3A_76 = tpu.memref_slice %arg9[%add3A_60, %dma_start3A_75] : memref<50x40xi32, #tpu.memory_space<vmem>> -> memref<1x40xi32, #tpu.memory_space<vmem>>
        %dma_start3A_77 = tpu.memref_squeeze %dma_start3A_76 : memref<1x40xi32, #tpu.memory_space<vmem>> -> memref<40xi32, #tpu.memory_space<vmem>>
        %dma_start3A_78 = arith.constant 0 : i32
        %dma_start3A_79 = arith.constant 0 : i32
        %dma_start3A_80 = tpu.memref_slice %arg25[%dma_start3A_78, %dma_start3A_79] : memref<10240x128xf32, #tpu.memory_space<vmem_shared>> -> memref<10240x128xf32, #tpu.memory_space<vmem_shared>>
        tpu.enqueue_indirect_dma source(%arg10 : memref<40x128xf32, #tpu.memory_space<vmem>>) target(%dma_start3A_80 : memref<10240x128xf32, #tpu.memory_space<vmem_shared>>) offsets(%dma_start3A_77 : memref<40xi32, #tpu.memory_space<vmem>>) semaphore(%arg20 : memref<!tpu.dma_semaphore, #tpu.memory_space<semaphore_mem>>) {add = true}
        %mul3A_81 = arith.constant 5 : i32
        %mul3A_82 = arith.muli %scan3A_56, %mul3A_81 : i32
        %add3A_83 = arith.constant 1 : i32
        %add3A_84 = arith.addi %mul3A_82, %add3A_83 : i32
        %ge3A_85 = arith.constant 2 : i32
        %ge3A_86 = arith.cmpi sge, %add3A_84, %ge3A_85 : i32
        %convert_element_type3A_87 = arith.extui %ge3A_86 : i1 to i32
        %cond3A_88 = arith.constant 0 : i32
        %cond3A_89 = arith.cmpi ne, %convert_element_type3A_87, %cond3A_88 : i32
        scf.if %cond3A_89 {
          %sub3A = arith.constant 2 : i32
          %sub3A_193 = arith.subi %add3A_84, %sub3A : i32
          %dma_wait3A_194 = arith.constant 0 : i32
          %dma_wait3A_195 = tpu.memref_slice %arg9[%sub3A_193, %dma_wait3A_194] : memref<50x40xi32, #tpu.memory_space<vmem>> -> memref<1x40xi32, #tpu.memory_space<vmem>>
          %dma_wait3A_196 = tpu.memref_squeeze %dma_wait3A_195 : memref<1x40xi32, #tpu.memory_space<vmem>> -> memref<40xi32, #tpu.memory_space<vmem>>
          %dma_wait3A_197 = arith.constant 0 : i32
          %dma_wait3A_198 = arith.constant 0 : i32
          %dma_wait3A_199 = tpu.memref_slice %arg25[%dma_wait3A_197, %dma_wait3A_198] : memref<10240x128xf32, #tpu.memory_space<vmem_shared>> -> memref<10240x128xf32, #tpu.memory_space<vmem_shared>>
          tpu.wait_indirect_dma semaphore(%arg24 : memref<!tpu.dma_semaphore, #tpu.memory_space<semaphore_mem>>) src(%arg14 : memref<40x128xf32, #tpu.memory_space<vmem>>) dst(%dma_wait3A_199 : memref<10240x128xf32, #tpu.memory_space<vmem_shared>>)
        } else {
        }
        %add3A_90 = arith.constant 3 : i32
        %add3A_91 = arith.addi %add3A_84, %add3A_90 : i32
        %lt3A_92 = arith.constant 50 : i32
        %lt3A_93 = arith.cmpi slt, %add3A_91, %lt3A_92 : i32
        %convert_element_type3A_94 = arith.extui %lt3A_93 : i1 to i32
        %cond3A_95 = arith.constant 0 : i32
        %cond3A_96 = arith.cmpi ne, %convert_element_type3A_94, %cond3A_95 : i32
        scf.if %cond3A_96 {
          %add3A_193 = arith.constant 3 : i32
          %add3A_194 = arith.addi %add3A_84, %add3A_193 : i32
          %mul3A_195 = arith.constant 40 : i32
          %mul3A_196 = arith.muli %add3A_194, %mul3A_195 : i32
          %dma_start3A_197 = tpu.memref_slice %arg8[%mul3A_196] : memref<2000xi32, #tpu.memory_space<vmem>> -> memref<40xi32, #tpu.memory_space<vmem>>
          %dma_start3A_198 = arith.constant 0 : i32
          %dma_start3A_199 = arith.constant 0 : i32
          %dma_start3A_200 = tpu.memref_slice %arg2[%dma_start3A_198, %dma_start3A_199] : memref<10000x128xf32, #tpu.memory_space<hbm>> -> memref<10000x128xf32, #tpu.memory_space<hbm>>
          tpu.enqueue_indirect_dma source(%dma_start3A_200 : memref<10000x128xf32, #tpu.memory_space<hbm>>) target(%arg14 : memref<40x128xf32, #tpu.memory_space<vmem>>) offsets(%dma_start3A_197 : memref<40xi32, #tpu.memory_space<vmem>>) semaphore(%arg19 : memref<!tpu.dma_semaphore, #tpu.memory_space<semaphore_mem>>)
        } else {
        }
        %mul3A_97 = arith.constant 40 : i32
        %mul3A_98 = arith.muli %add3A_84, %mul3A_97 : i32
        %dma_wait3A_99 = tpu.memref_slice %arg8[%mul3A_98] : memref<2000xi32, #tpu.memory_space<vmem>> -> memref<40xi32, #tpu.memory_space<vmem>>
        %dma_wait3A_100 = arith.constant 0 : i32
        %dma_wait3A_101 = arith.constant 0 : i32
        %dma_wait3A_102 = tpu.memref_slice %arg2[%dma_wait3A_100, %dma_wait3A_101] : memref<10000x128xf32, #tpu.memory_space<hbm>> -> memref<10000x128xf32, #tpu.memory_space<hbm>>
        tpu.wait_indirect_dma semaphore(%arg16 : memref<!tpu.dma_semaphore, #tpu.memory_space<semaphore_mem>>) src(%dma_wait3A_102 : memref<10000x128xf32, #tpu.memory_space<hbm>>) dst(%arg11 : memref<40x128xf32, #tpu.memory_space<vmem>>)
        %dma_start3A_103 = arith.constant 0 : i32
        %dma_start3A_104 = tpu.memref_slice %arg9[%add3A_84, %dma_start3A_103] : memref<50x40xi32, #tpu.memory_space<vmem>> -> memref<1x40xi32, #tpu.memory_space<vmem>>
        %dma_start3A_105 = tpu.memref_squeeze %dma_start3A_104 : memref<1x40xi32, #tpu.memory_space<vmem>> -> memref<40xi32, #tpu.memory_space<vmem>>
        %dma_start3A_106 = arith.constant 0 : i32
        %dma_start3A_107 = arith.constant 0 : i32
        %dma_start3A_108 = tpu.memref_slice %arg25[%dma_start3A_106, %dma_start3A_107] : memref<10240x128xf32, #tpu.memory_space<vmem_shared>> -> memref<10240x128xf32, #tpu.memory_space<vmem_shared>>
        tpu.enqueue_indirect_dma source(%arg11 : memref<40x128xf32, #tpu.memory_space<vmem>>) target(%dma_start3A_108 : memref<10240x128xf32, #tpu.memory_space<vmem_shared>>) offsets(%dma_start3A_105 : memref<40xi32, #tpu.memory_space<vmem>>) semaphore(%arg21 : memref<!tpu.dma_semaphore, #tpu.memory_space<semaphore_mem>>) {add = true}
        %mul3A_109 = arith.constant 5 : i32
        %mul3A_110 = arith.muli %scan3A_56, %mul3A_109 : i32
        %add3A_111 = arith.constant 2 : i32
        %add3A_112 = arith.addi %mul3A_110, %add3A_111 : i32
        %ge3A_113 = arith.constant 2 : i32
        %ge3A_114 = arith.cmpi sge, %add3A_112, %ge3A_113 : i32
        %convert_element_type3A_115 = arith.extui %ge3A_114 : i1 to i32
        %cond3A_116 = arith.constant 0 : i32
        %cond3A_117 = arith.cmpi ne, %convert_element_type3A_115, %cond3A_116 : i32
        scf.if %cond3A_117 {
          %sub3A = arith.constant 2 : i32
          %sub3A_193 = arith.subi %add3A_112, %sub3A : i32
          %dma_wait3A_194 = arith.constant 0 : i32
          %dma_wait3A_195 = tpu.memref_slice %arg9[%sub3A_193, %dma_wait3A_194] : memref<50x40xi32, #tpu.memory_space<vmem>> -> memref<1x40xi32, #tpu.memory_space<vmem>>
          %dma_wait3A_196 = tpu.memref_squeeze %dma_wait3A_195 : memref<1x40xi32, #tpu.memory_space<vmem>> -> memref<40xi32, #tpu.memory_space<vmem>>
          %dma_wait3A_197 = arith.constant 0 : i32
          %dma_wait3A_198 = arith.constant 0 : i32
          %dma_wait3A_199 = tpu.memref_slice %arg25[%dma_wait3A_197, %dma_wait3A_198] : memref<10240x128xf32, #tpu.memory_space<vmem_shared>> -> memref<10240x128xf32, #tpu.memory_space<vmem_shared>>
          tpu.wait_indirect_dma semaphore(%arg20 : memref<!tpu.dma_semaphore, #tpu.memory_space<semaphore_mem>>) src(%arg10 : memref<40x128xf32, #tpu.memory_space<vmem>>) dst(%dma_wait3A_199 : memref<10240x128xf32, #tpu.memory_space<vmem_shared>>)
        } else {
        }
        %add3A_118 = arith.constant 3 : i32
        %add3A_119 = arith.addi %add3A_112, %add3A_118 : i32
        %lt3A_120 = arith.constant 50 : i32
        %lt3A_121 = arith.cmpi slt, %add3A_119, %lt3A_120 : i32
        %convert_element_type3A_122 = arith.extui %lt3A_121 : i1 to i32
        %cond3A_123 = arith.constant 0 : i32
        %cond3A_124 = arith.cmpi ne, %convert_element_type3A_122, %cond3A_123 : i32
        scf.if %cond3A_124 {
          %add3A_193 = arith.constant 3 : i32
          %add3A_194 = arith.addi %add3A_112, %add3A_193 : i32
          %mul3A_195 = arith.constant 40 : i32
          %mul3A_196 = arith.muli %add3A_194, %mul3A_195 : i32
          %dma_start3A_197 = tpu.memref_slice %arg8[%mul3A_196] : memref<2000xi32, #tpu.memory_space<vmem>> -> memref<40xi32, #tpu.memory_space<vmem>>
          %dma_start3A_198 = arith.constant 0 : i32
          %dma_start3A_199 = arith.constant 0 : i32
          %dma_start3A_200 = tpu.memref_slice %arg2[%dma_start3A_198, %dma_start3A_199] : memref<10000x128xf32, #tpu.memory_space<hbm>> -> memref<10000x128xf32, #tpu.memory_space<hbm>>
          tpu.enqueue_indirect_dma source(%dma_start3A_200 : memref<10000x128xf32, #tpu.memory_space<hbm>>) target(%arg10 : memref<40x128xf32, #tpu.memory_space<vmem>>) offsets(%dma_start3A_197 : memref<40xi32, #tpu.memory_space<vmem>>) semaphore(%arg15 : memref<!tpu.dma_semaphore, #tpu.memory_space<semaphore_mem>>)
        } else {
        }
        %mul3A_125 = arith.constant 40 : i32
        %mul3A_126 = arith.muli %add3A_112, %mul3A_125 : i32
        %dma_wait3A_127 = tpu.memref_slice %arg8[%mul3A_126] : memref<2000xi32, #tpu.memory_space<vmem>> -> memref<40xi32, #tpu.memory_space<vmem>>
        %dma_wait3A_128 = arith.constant 0 : i32
        %dma_wait3A_129 = arith.constant 0 : i32
        %dma_wait3A_130 = tpu.memref_slice %arg2[%dma_wait3A_128, %dma_wait3A_129] : memref<10000x128xf32, #tpu.memory_space<hbm>> -> memref<10000x128xf32, #tpu.memory_space<hbm>>
        tpu.wait_indirect_dma semaphore(%arg17 : memref<!tpu.dma_semaphore, #tpu.memory_space<semaphore_mem>>) src(%dma_wait3A_130 : memref<10000x128xf32, #tpu.memory_space<hbm>>) dst(%arg12 : memref<40x128xf32, #tpu.memory_space<vmem>>)
        %dma_start3A_131 = arith.constant 0 : i32
        %dma_start3A_132 = tpu.memref_slice %arg9[%add3A_112, %dma_start3A_131] : memref<50x40xi32, #tpu.memory_space<vmem>> -> memref<1x40xi32, #tpu.memory_space<vmem>>
        %dma_start3A_133 = tpu.memref_squeeze %dma_start3A_132 : memref<1x40xi32, #tpu.memory_space<vmem>> -> memref<40xi32, #tpu.memory_space<vmem>>
        %dma_start3A_134 = arith.constant 0 : i32
        %dma_start3A_135 = arith.constant 0 : i32
        %dma_start3A_136 = tpu.memref_slice %arg25[%dma_start3A_134, %dma_start3A_135] : memref<10240x128xf32, #tpu.memory_space<vmem_shared>> -> memref<10240x128xf32, #tpu.memory_space<vmem_shared>>
        tpu.enqueue_indirect_dma source(%arg12 : memref<40x128xf32, #tpu.memory_space<vmem>>) target(%dma_start3A_136 : memref<10240x128xf32, #tpu.memory_space<vmem_shared>>) offsets(%dma_start3A_133 : memref<40xi32, #tpu.memory_space<vmem>>) semaphore(%arg22 : memref<!tpu.dma_semaphore, #tpu.memory_space<semaphore_mem>>) {add = true}
        %mul3A_137 = arith.constant 5 : i32
        %mul3A_138 = arith.muli %scan3A_56, %mul3A_137 : i32
        %add3A_139 = arith.constant 3 : i32
        %add3A_140 = arith.addi %mul3A_138, %add3A_139 : i32
        %ge3A_141 = arith.constant 2 : i32
        %ge3A_142 = arith.cmpi sge, %add3A_140, %ge3A_141 : i32
        %convert_element_type3A_143 = arith.extui %ge3A_142 : i1 to i32
        %cond3A_144 = arith.constant 0 : i32
        %cond3A_145 = arith.cmpi ne, %convert_element_type3A_143, %cond3A_144 : i32
        scf.if %cond3A_145 {
          %sub3A = arith.constant 2 : i32
          %sub3A_193 = arith.subi %add3A_140, %sub3A : i32
          %dma_wait3A_194 = arith.constant 0 : i32
          %dma_wait3A_195 = tpu.memref_slice %arg9[%sub3A_193, %dma_wait3A_194] : memref<50x40xi32, #tpu.memory_space<vmem>> -> memref<1x40xi32, #tpu.memory_space<vmem>>
          %dma_wait3A_196 = tpu.memref_squeeze %dma_wait3A_195 : memref<1x40xi32, #tpu.memory_space<vmem>> -> memref<40xi32, #tpu.memory_space<vmem>>
          %dma_wait3A_197 = arith.constant 0 : i32
          %dma_wait3A_198 = arith.constant 0 : i32
          %dma_wait3A_199 = tpu.memref_slice %arg25[%dma_wait3A_197, %dma_wait3A_198] : memref<10240x128xf32, #tpu.memory_space<vmem_shared>> -> memref<10240x128xf32, #tpu.memory_space<vmem_shared>>
          tpu.wait_indirect_dma semaphore(%arg21 : memref<!tpu.dma_semaphore, #tpu.memory_space<semaphore_mem>>) src(%arg11 : memref<40x128xf32, #tpu.memory_space<vmem>>) dst(%dma_wait3A_199 : memref<10240x128xf32, #tpu.memory_space<vmem_shared>>)
        } else {
        }
        %add3A_146 = arith.constant 3 : i32
        %add3A_147 = arith.addi %add3A_140, %add3A_146 : i32
        %lt3A_148 = arith.constant 50 : i32
        %lt3A_149 = arith.cmpi slt, %add3A_147, %lt3A_148 : i32
        %convert_element_type3A_150 = arith.extui %lt3A_149 : i1 to i32
        %cond3A_151 = arith.constant 0 : i32
        %cond3A_152 = arith.cmpi ne, %convert_element_type3A_150, %cond3A_151 : i32
        scf.if %cond3A_152 {
          %add3A_193 = arith.constant 3 : i32
          %add3A_194 = arith.addi %add3A_140, %add3A_193 : i32
          %mul3A_195 = arith.constant 40 : i32
          %mul3A_196 = arith.muli %add3A_194, %mul3A_195 : i32
          %dma_start3A_197 = tpu.memref_slice %arg8[%mul3A_196] : memref<2000xi32, #tpu.memory_space<vmem>> -> memref<40xi32, #tpu.memory_space<vmem>>
          %dma_start3A_198 = arith.constant 0 : i32
          %dma_start3A_199 = arith.constant 0 : i32
          %dma_start3A_200 = tpu.memref_slice %arg2[%dma_start3A_198, %dma_start3A_199] : memref<10000x128xf32, #tpu.memory_space<hbm>> -> memref<10000x128xf32, #tpu.memory_space<hbm>>
          tpu.enqueue_indirect_dma source(%dma_start3A_200 : memref<10000x128xf32, #tpu.memory_space<hbm>>) target(%arg11 : memref<40x128xf32, #tpu.memory_space<vmem>>) offsets(%dma_start3A_197 : memref<40xi32, #tpu.memory_space<vmem>>) semaphore(%arg16 : memref<!tpu.dma_semaphore, #tpu.memory_space<semaphore_mem>>)
        } else {
        }
        %mul3A_153 = arith.constant 40 : i32
        %mul3A_154 = arith.muli %add3A_140, %mul3A_153 : i32
        %dma_wait3A_155 = tpu.memref_slice %arg8[%mul3A_154] : memref<2000xi32, #tpu.memory_space<vmem>> -> memref<40xi32, #tpu.memory_space<vmem>>
        %dma_wait3A_156 = arith.constant 0 : i32
        %dma_wait3A_157 = arith.constant 0 : i32
        %dma_wait3A_158 = tpu.memref_slice %arg2[%dma_wait3A_156, %dma_wait3A_157] : memref<10000x128xf32, #tpu.memory_space<hbm>> -> memref<10000x128xf32, #tpu.memory_space<hbm>>
        tpu.wait_indirect_dma semaphore(%arg18 : memref<!tpu.dma_semaphore, #tpu.memory_space<semaphore_mem>>) src(%dma_wait3A_158 : memref<10000x128xf32, #tpu.memory_space<hbm>>) dst(%arg13 : memref<40x128xf32, #tpu.memory_space<vmem>>)
        %dma_start3A_159 = arith.constant 0 : i32
        %dma_start3A_160 = tpu.memref_slice %arg9[%add3A_140, %dma_start3A_159] : memref<50x40xi32, #tpu.memory_space<vmem>> -> memref<1x40xi32, #tpu.memory_space<vmem>>
        %dma_start3A_161 = tpu.memref_squeeze %dma_start3A_160 : memref<1x40xi32, #tpu.memory_space<vmem>> -> memref<40xi32, #tpu.memory_space<vmem>>
        %dma_start3A_162 = arith.constant 0 : i32
        %dma_start3A_163 = arith.constant 0 : i32
        %dma_start3A_164 = tpu.memref_slice %arg25[%dma_start3A_162, %dma_start3A_163] : memref<10240x128xf32, #tpu.memory_space<vmem_shared>> -> memref<10240x128xf32, #tpu.memory_space<vmem_shared>>
        tpu.enqueue_indirect_dma source(%arg13 : memref<40x128xf32, #tpu.memory_space<vmem>>) target(%dma_start3A_164 : memref<10240x128xf32, #tpu.memory_space<vmem_shared>>) offsets(%dma_start3A_161 : memref<40xi32, #tpu.memory_space<vmem>>) semaphore(%arg23 : memref<!tpu.dma_semaphore, #tpu.memory_space<semaphore_mem>>) {add = true}
        %mul3A_165 = arith.constant 5 : i32
        %mul3A_166 = arith.muli %scan3A_56, %mul3A_165 : i32
        %add3A_167 = arith.constant 4 : i32
        %add3A_168 = arith.addi %mul3A_166, %add3A_167 : i32
        %ge3A_169 = arith.constant 2 : i32
        %ge3A_170 = arith.cmpi sge, %add3A_168, %ge3A_169 : i32
        %convert_element_type3A_171 = arith.extui %ge3A_170 : i1 to i32
        %cond3A_172 = arith.constant 0 : i32
        %cond3A_173 = arith.cmpi ne, %convert_element_type3A_171, %cond3A_172 : i32
        scf.if %cond3A_173 {
          %sub3A = arith.constant 2 : i32
          %sub3A_193 = arith.subi %add3A_168, %sub3A : i32
          %dma_wait3A_194 = arith.constant 0 : i32
          %dma_wait3A_195 = tpu.memref_slice %arg9[%sub3A_193, %dma_wait3A_194] : memref<50x40xi32, #tpu.memory_space<vmem>> -> memref<1x40xi32, #tpu.memory_space<vmem>>
          %dma_wait3A_196 = tpu.memref_squeeze %dma_wait3A_195 : memref<1x40xi32, #tpu.memory_space<vmem>> -> memref<40xi32, #tpu.memory_space<vmem>>
          %dma_wait3A_197 = arith.constant 0 : i32
          %dma_wait3A_198 = arith.constant 0 : i32
          %dma_wait3A_199 = tpu.memref_slice %arg25[%dma_wait3A_197, %dma_wait3A_198] : memref<10240x128xf32, #tpu.memory_space<vmem_shared>> -> memref<10240x128xf32, #tpu.memory_space<vmem_shared>>
          tpu.wait_indirect_dma semaphore(%arg22 : memref<!tpu.dma_semaphore, #tpu.memory_space<semaphore_mem>>) src(%arg12 : memref<40x128xf32, #tpu.memory_space<vmem>>) dst(%dma_wait3A_199 : memref<10240x128xf32, #tpu.memory_space<vmem_shared>>)
        } else {
        }
        %add3A_174 = arith.constant 3 : i32
        %add3A_175 = arith.addi %add3A_168, %add3A_174 : i32
        %lt3A_176 = arith.constant 50 : i32
        %lt3A_177 = arith.cmpi slt, %add3A_175, %lt3A_176 : i32
        %convert_element_type3A_178 = arith.extui %lt3A_177 : i1 to i32
        %cond3A_179 = arith.constant 0 : i32
        %cond3A_180 = arith.cmpi ne, %convert_element_type3A_178, %cond3A_179 : i32
        scf.if %cond3A_180 {
          %add3A_193 = arith.constant 3 : i32
          %add3A_194 = arith.addi %add3A_168, %add3A_193 : i32
          %mul3A_195 = arith.constant 40 : i32
          %mul3A_196 = arith.muli %add3A_194, %mul3A_195 : i32
          %dma_start3A_197 = tpu.memref_slice %arg8[%mul3A_196] : memref<2000xi32, #tpu.memory_space<vmem>> -> memref<40xi32, #tpu.memory_space<vmem>>
          %dma_start3A_198 = arith.constant 0 : i32
          %dma_start3A_199 = arith.constant 0 : i32
          %dma_start3A_200 = tpu.memref_slice %arg2[%dma_start3A_198, %dma_start3A_199] : memref<10000x128xf32, #tpu.memory_space<hbm>> -> memref<10000x128xf32, #tpu.memory_space<hbm>>
          tpu.enqueue_indirect_dma source(%dma_start3A_200 : memref<10000x128xf32, #tpu.memory_space<hbm>>) target(%arg12 : memref<40x128xf32, #tpu.memory_space<vmem>>) offsets(%dma_start3A_197 : memref<40xi32, #tpu.memory_space<vmem>>) semaphore(%arg17 : memref<!tpu.dma_semaphore, #tpu.memory_space<semaphore_mem>>)
        } else {
        }
        %mul3A_181 = arith.constant 40 : i32
        %mul3A_182 = arith.muli %add3A_168, %mul3A_181 : i32
        %dma_wait3A_183 = tpu.memref_slice %arg8[%mul3A_182] : memref<2000xi32, #tpu.memory_space<vmem>> -> memref<40xi32, #tpu.memory_space<vmem>>
        %dma_wait3A_184 = arith.constant 0 : i32
        %dma_wait3A_185 = arith.constant 0 : i32
        %dma_wait3A_186 = tpu.memref_slice %arg2[%dma_wait3A_184, %dma_wait3A_185] : memref<10000x128xf32, #tpu.memory_space<hbm>> -> memref<10000x128xf32, #tpu.memory_space<hbm>>
        tpu.wait_indirect_dma semaphore(%arg19 : memref<!tpu.dma_semaphore, #tpu.memory_space<semaphore_mem>>) src(%dma_wait3A_186 : memref<10000x128xf32, #tpu.memory_space<hbm>>) dst(%arg14 : memref<40x128xf32, #tpu.memory_space<vmem>>)
        %dma_start3A_187 = arith.constant 0 : i32
        %dma_start3A_188 = tpu.memref_slice %arg9[%add3A_168, %dma_start3A_187] : memref<50x40xi32, #tpu.memory_space<vmem>> -> memref<1x40xi32, #tpu.memory_space<vmem>>
        %dma_start3A_189 = tpu.memref_squeeze %dma_start3A_188 : memref<1x40xi32, #tpu.memory_space<vmem>> -> memref<40xi32, #tpu.memory_space<vmem>>
        %dma_start3A_190 = arith.constant 0 : i32
        %dma_start3A_191 = arith.constant 0 : i32
        %dma_start3A_192 = tpu.memref_slice %arg25[%dma_start3A_190, %dma_start3A_191] : memref<10240x128xf32, #tpu.memory_space<vmem_shared>> -> memref<10240x128xf32, #tpu.memory_space<vmem_shared>>
        tpu.enqueue_indirect_dma source(%arg14 : memref<40x128xf32, #tpu.memory_space<vmem>>) target(%dma_start3A_192 : memref<10240x128xf32, #tpu.memory_space<vmem_shared>>) offsets(%dma_start3A_189 : memref<40xi32, #tpu.memory_space<vmem>>) semaphore(%arg24 : memref<!tpu.dma_semaphore, #tpu.memory_space<semaphore_mem>>) {add = true}
      }
      %scan3A_42 = arith.constant 10 : i32
      %dma_wait3A = arith.constant 48 : i32
      %dma_wait3A_43 = arith.constant 0 : i32
      %dma_wait3A_44 = tpu.memref_slice %arg9[%dma_wait3A, %dma_wait3A_43] : memref<50x40xi32, #tpu.memory_space<vmem>> -> memref<1x40xi32, #tpu.memory_space<vmem>>
      %dma_wait3A_45 = tpu.memref_squeeze %dma_wait3A_44 : memref<1x40xi32, #tpu.memory_space<vmem>> -> memref<40xi32, #tpu.memory_space<vmem>>
      %dma_wait3A_46 = arith.constant 0 : i32
      %dma_wait3A_47 = arith.constant 0 : i32
      %dma_wait3A_48 = tpu.memref_slice %arg25[%dma_wait3A_46, %dma_wait3A_47] : memref<10240x128xf32, #tpu.memory_space<vmem_shared>> -> memref<10240x128xf32, #tpu.memory_space<vmem_shared>>
      tpu.wait_indirect_dma semaphore(%arg23 : memref<!tpu.dma_semaphore, #tpu.memory_space<semaphore_mem>>) src(%arg13 : memref<40x128xf32, #tpu.memory_space<vmem>>) dst(%dma_wait3A_48 : memref<10240x128xf32, #tpu.memory_space<vmem_shared>>)
      %dma_wait3A_49 = arith.constant 49 : i32
      %dma_wait3A_50 = arith.constant 0 : i32
      %dma_wait3A_51 = tpu.memref_slice %arg9[%dma_wait3A_49, %dma_wait3A_50] : memref<50x40xi32, #tpu.memory_space<vmem>> -> memref<1x40xi32, #tpu.memory_space<vmem>>
      %dma_wait3A_52 = tpu.memref_squeeze %dma_wait3A_51 : memref<1x40xi32, #tpu.memory_space<vmem>> -> memref<40xi32, #tpu.memory_space<vmem>>
      %dma_wait3A_53 = arith.constant 0 : i32
      %dma_wait3A_54 = arith.constant 0 : i32
      %dma_wait3A_55 = tpu.memref_slice %arg25[%dma_wait3A_53, %dma_wait3A_54] : memref<10240x128xf32, #tpu.memory_space<vmem_shared>> -> memref<10240x128xf32, #tpu.memory_space<vmem_shared>>
      tpu.wait_indirect_dma semaphore(%arg24 : memref<!tpu.dma_semaphore, #tpu.memory_space<semaphore_mem>>) src(%arg14 : memref<40x128xf32, #tpu.memory_space<vmem>>) dst(%dma_wait3A_55 : memref<10240x128xf32, #tpu.memory_space<vmem_shared>>)
    }
    %scan3A_9 = arith.constant 5 : i32
    %barrier3A_10 = arith.constant 0 : index
    tpu.barrier barrier_id(%barrier3A_10)
    %mul3A_11 = arith.constant 640 : i32
    %mul3A_12 = arith.muli %arg1, %mul3A_11 : i32
    %mul3A_13 = arith.constant 640 : i32
    %mul3A_14 = arith.muli %arg1, %mul3A_13 : i32
    "tpu.region"() ({
      %run_scoped3A = tpu.sem_alloc : memref<!tpu.dma_semaphore, #tpu.memory_space<semaphore_mem>>
      %dma_start3A = arith.constant 0 : i32
      %dma_start3A_15 = tpu.memref_slice %arg7[%arg0, %mul3A_14, %dma_start3A] : memref<2x10240x128xf32, #tpu.memory_space<hbm>> -> memref<1x640x128xf32, #tpu.memory_space<hbm>>
      %dma_start3A_16 = tpu.memref_squeeze %dma_start3A_15 : memref<1x640x128xf32, #tpu.memory_space<hbm>> -> memref<640x128xf32, #tpu.memory_space<hbm>>
      %dma_start3A_17 = arith.constant 0 : i32
      %dma_start3A_18 = tpu.memref_slice %arg25[%mul3A_12, %dma_start3A_17] : memref<10240x128xf32, #tpu.memory_space<vmem_shared>> -> memref<640x128xf32, #tpu.memory_space<vmem_shared>>
      tpu.enqueue_dma source(%dma_start3A_18 : memref<640x128xf32, #tpu.memory_space<vmem_shared>>) target(%dma_start3A_16 : memref<640x128xf32, #tpu.memory_space<hbm>>) target_semaphore(%run_scoped3A : memref<!tpu.dma_semaphore, #tpu.memory_space<semaphore_mem>>)
      %dma_wait3A = arith.constant 0 : i32
      %dma_wait3A_19 = tpu.memref_slice %arg7[%arg0, %mul3A_14, %dma_wait3A] : memref<2x10240x128xf32, #tpu.memory_space<hbm>> -> memref<1x640x128xf32, #tpu.memory_space<hbm>>
      %dma_wait3A_20 = tpu.memref_squeeze %dma_wait3A_19 : memref<1x640x128xf32, #tpu.memory_space<hbm>> -> memref<640x128xf32, #tpu.memory_space<hbm>>
      %dma_wait3A_21 = arith.constant 0 : i32
      %dma_wait3A_22 = tpu.memref_slice %arg25[%mul3A_12, %dma_wait3A_21] : memref<10240x128xf32, #tpu.memory_space<vmem_shared>> -> memref<640x128xf32, #tpu.memory_space<vmem_shared>>
      tpu.wait_dma2 semaphore(%run_scoped3A : memref<!tpu.dma_semaphore, #tpu.memory_space<semaphore_mem>>) src(%dma_wait3A_22 : memref<640x128xf32, #tpu.memory_space<vmem_shared>>) dst(%dma_wait3A_20 : memref<640x128xf32, #tpu.memory_space<hbm>>)
      tpu.yield
    }) : () -> ()
    return
  }
}

#map = affine_map<(d0, d1) -> (0, 0)>
#map1 = affine_map<(d0, d1) -> (0)>
#map2 = affine_map<(d0, d1) -> (0, 0, 0, 0)>
#map3 = affine_map<(d0, d1) -> (0, 0, 0)>
module attributes {stable_mosaic.version = 14 : i64} {
  func.func @_agg_body(%arg0: i32, %arg1: i32, %arg2: memref<10000x128xf32, #tpu.memory_space<hbm>>, %arg3: memref<320000xi32, #tpu.memory_space<hbm>>, %arg4: memref<32x5x50x40xi32, #tpu.memory_space<hbm>>, %arg5: memref<10240x128xf32, #tpu.memory_space<hbm>>, %arg6: memref<8x32xf32, #tpu.memory_space<hbm>>, %arg7: memref<2x10240x128xf32, #tpu.memory_space<hbm>>, %arg8: memref<2000xi32, #tpu.memory_space<vmem>>, %arg9: memref<50x40xi32, #tpu.memory_space<vmem>>, %arg10: memref<40x128xf32, #tpu.memory_space<vmem>>, %arg11: memref<40x128xf32, #tpu.memory_space<vmem>>, %arg12: memref<40x128xf32, #tpu.memory_space<vmem>>, %arg13: memref<40x128xf32, #tpu.memory_space<vmem>>, %arg14: memref<40x128xf32, #tpu.memory_space<vmem>>, %arg15: memref<!tpu.dma_semaphore, #tpu.memory_space<semaphore_mem>>, %arg16: memref<!tpu.dma_semaphore, #tpu.memory_space<semaphore_mem>>, %arg17: memref<!tpu.dma_semaphore, #tpu.memory_space<semaphore_mem>>, %arg18: memref<!tpu.dma_semaphore, #tpu.memory_space<semaphore_mem>>, %arg19: memref<!tpu.dma_semaphore, #tpu.memory_space<semaphore_mem>>, %arg20: memref<!tpu.dma_semaphore, #tpu.memory_space<semaphore_mem>>, %arg21: memref<!tpu.dma_semaphore, #tpu.memory_space<semaphore_mem>>, %arg22: memref<!tpu.dma_semaphore, #tpu.memory_space<semaphore_mem>>, %arg23: memref<!tpu.dma_semaphore, #tpu.memory_space<semaphore_mem>>, %arg24: memref<!tpu.dma_semaphore, #tpu.memory_space<semaphore_mem>>, %arg25: memref<10240x128xf32, #tpu.memory_space<vmem_shared>>) attributes {dimension_semantics = [#tpu.dimension_semantics<core_parallel>, #tpu.dimension_semantics<subcore_parallel>], iteration_bounds = array<i64: 2, 16>, scalar_prefetch = 0 : i64, scratch_operands = 18 : i64, tpu.core_type = #tpu.core_type<sc_vector_subcore>, window_params = [{transform_indices = #map}, {transform_indices = #map1}, {transform_indices = #map2}, {transform_indices = #map}, {transform_indices = #map}, {transform_indices = #map3}]} {
    %mul3A = arith.constant 2 : i32
    %mul3A_0 = arith.muli %arg1, %mul3A : i32
    %add3A = arith.addi %mul3A_0, %arg0 : i32
    %mul3A_1 = arith.constant 640 : i32
    %mul3A_2 = arith.muli %arg1, %mul3A_1 : i32
    %mul3A_3 = arith.constant 640 : i32
    %mul3A_4 = arith.muli %arg1, %mul3A_3 : i32
    "tpu.region"() ({
      %run_scoped3A = tpu.sem_alloc : memref<!tpu.dma_semaphore, #tpu.memory_space<semaphore_mem>>
      %dma_start3A = arith.constant 0 : i32
      %dma_start3A_15 = tpu.memref_slice %arg25[%mul3A_4, %dma_start3A] : memref<10240x128xf32, #tpu.memory_space<vmem_shared>> -> memref<640x128xf32, #tpu.memory_space<vmem_shared>>
      %dma_start3A_16 = arith.constant 0 : i32
      %dma_start3A_17 = tpu.memref_slice %arg5[%mul3A_2, %dma_start3A_16] : memref<10240x128xf32, #tpu.memory_space<hbm>> -> memref<640x128xf32, #tpu.memory_space<hbm>>
      tpu.enqueue_dma source(%dma_start3A_17 : memref<640x128xf32, #tpu.memory_space<hbm>>) target(%dma_start3A_15 : memref<640x128xf32, #tpu.memory_space<vmem_shared>>) target_semaphore(%run_scoped3A : memref<!tpu.dma_semaphore, #tpu.memory_space<semaphore_mem>>)
      %dma_wait3A = arith.constant 0 : i32
      %dma_wait3A_18 = tpu.memref_slice %arg25[%mul3A_4, %dma_wait3A] : memref<10240x128xf32, #tpu.memory_space<vmem_shared>> -> memref<640x128xf32, #tpu.memory_space<vmem_shared>>
      %dma_wait3A_19 = arith.constant 0 : i32
      %dma_wait3A_20 = tpu.memref_slice %arg5[%mul3A_2, %dma_wait3A_19] : memref<10240x128xf32, #tpu.memory_space<hbm>> -> memref<640x128xf32, #tpu.memory_space<hbm>>
      tpu.wait_dma2 semaphore(%run_scoped3A : memref<!tpu.dma_semaphore, #tpu.memory_space<semaphore_mem>>) src(%dma_wait3A_20 : memref<640x128xf32, #tpu.memory_space<hbm>>) dst(%dma_wait3A_18 : memref<640x128xf32, #tpu.memory_space<vmem_shared>>)
      tpu.yield
    }) : () -> ()
    %barrier3A = arith.constant 0 : index
    tpu.barrier barrier_id(%barrier3A)
    %scan3A = arith.constant 0 : i32
    %scan3A_5 = arith.constant 0 : i32
    %scan3A_6 = arith.constant 5 : i32
    %scan3A_7 = arith.addi %scan3A_5, %scan3A_6 : i32
    %scan3A_8 = arith.constant 1 : i32
    scf.for %scan3A_15 = %scan3A_5 to %scan3A_7 step %scan3A_8  : i32 {
      %mul3A_16 = arith.constant 10000 : i32
      %mul3A_17 = arith.muli %add3A, %mul3A_16 : i32
      %mul3A_18 = arith.constant 50 : i32
      %mul3A_19 = arith.muli %scan3A_15, %mul3A_18 : i32
      %mul3A_20 = arith.constant 40 : i32
      %mul3A_21 = arith.muli %mul3A_19, %mul3A_20 : i32
      %add3A_22 = arith.addi %mul3A_17, %mul3A_21 : i32
      "tpu.region"() ({
        %run_scoped3A = tpu.sem_alloc : memref<!tpu.dma_semaphore, #tpu.memory_space<semaphore_mem>>
        %dma_start3A_56 = tpu.memref_slice %arg3[%add3A_22] : memref<320000xi32, #tpu.memory_space<hbm>> -> memref<2000xi32, #tpu.memory_space<hbm>>
        %dma_start3A_57 = tpu.memref_slice %arg3[%add3A_22] : memref<320000xi32, #tpu.memory_space<hbm>> -> memref<2000xi32, #tpu.memory_space<hbm>>
        tpu.enqueue_dma source(%dma_start3A_57 : memref<2000xi32, #tpu.memory_space<hbm>>) target(%arg8 : memref<2000xi32, #tpu.memory_space<vmem>>) target_semaphore(%run_scoped3A : memref<!tpu.dma_semaphore, #tpu.memory_space<semaphore_mem>>)
        %dma_wait3A_58 = tpu.memref_slice %arg3[%add3A_22] : memref<320000xi32, #tpu.memory_space<hbm>> -> memref<2000xi32, #tpu.memory_space<hbm>>
        %dma_wait3A_59 = tpu.memref_slice %arg3[%add3A_22] : memref<320000xi32, #tpu.memory_space<hbm>> -> memref<2000xi32, #tpu.memory_space<hbm>>
        tpu.wait_dma2 semaphore(%run_scoped3A : memref<!tpu.dma_semaphore, #tpu.memory_space<semaphore_mem>>) src(%dma_wait3A_59 : memref<2000xi32, #tpu.memory_space<hbm>>) dst(%arg8 : memref<2000xi32, #tpu.memory_space<vmem>>)
        tpu.yield
      }) : () -> ()
      "tpu.region"() ({
        %run_scoped3A = tpu.sem_alloc : memref<!tpu.dma_semaphore, #tpu.memory_space<semaphore_mem>>
        %dma_start3A_56 = arith.constant 0 : i32
        %dma_start3A_57 = arith.constant 0 : i32
        %dma_start3A_58 = tpu.memref_slice %arg4[%add3A, %scan3A_15, %dma_start3A_56, %dma_start3A_57] : memref<32x5x50x40xi32, #tpu.memory_space<hbm>> -> memref<1x1x50x40xi32, #tpu.memory_space<hbm>>
        %dma_start3A_59 = tpu.memref_squeeze %dma_start3A_58 : memref<1x1x50x40xi32, #tpu.memory_space<hbm>> -> memref<50x40xi32, #tpu.memory_space<hbm>>
        %dma_start3A_60 = arith.constant 0 : i32
        %dma_start3A_61 = arith.constant 0 : i32
        %dma_start3A_62 = tpu.memref_slice %arg4[%add3A, %scan3A_15, %dma_start3A_60, %dma_start3A_61] : memref<32x5x50x40xi32, #tpu.memory_space<hbm>> -> memref<1x1x50x40xi32, #tpu.memory_space<hbm>>
        %dma_start3A_63 = tpu.memref_squeeze %dma_start3A_62 : memref<1x1x50x40xi32, #tpu.memory_space<hbm>> -> memref<50x40xi32, #tpu.memory_space<hbm>>
        tpu.enqueue_dma source(%dma_start3A_63 : memref<50x40xi32, #tpu.memory_space<hbm>>) target(%arg9 : memref<50x40xi32, #tpu.memory_space<vmem>>) target_semaphore(%run_scoped3A : memref<!tpu.dma_semaphore, #tpu.memory_space<semaphore_mem>>)
        %dma_wait3A_64 = arith.constant 0 : i32
        %dma_wait3A_65 = arith.constant 0 : i32
        %dma_wait3A_66 = tpu.memref_slice %arg4[%add3A, %scan3A_15, %dma_wait3A_64, %dma_wait3A_65] : memref<32x5x50x40xi32, #tpu.memory_space<hbm>> -> memref<1x1x50x40xi32, #tpu.memory_space<hbm>>
        %dma_wait3A_67 = tpu.memref_squeeze %dma_wait3A_66 : memref<1x1x50x40xi32, #tpu.memory_space<hbm>> -> memref<50x40xi32, #tpu.memory_space<hbm>>
        %dma_wait3A_68 = arith.constant 0 : i32
        %dma_wait3A_69 = arith.constant 0 : i32
        %dma_wait3A_70 = tpu.memref_slice %arg4[%add3A, %scan3A_15, %dma_wait3A_68, %dma_wait3A_69] : memref<32x5x50x40xi32, #tpu.memory_space<hbm>> -> memref<1x1x50x40xi32, #tpu.memory_space<hbm>>
        %dma_wait3A_71 = tpu.memref_squeeze %dma_wait3A_70 : memref<1x1x50x40xi32, #tpu.memory_space<hbm>> -> memref<50x40xi32, #tpu.memory_space<hbm>>
        tpu.wait_dma2 semaphore(%run_scoped3A : memref<!tpu.dma_semaphore, #tpu.memory_space<semaphore_mem>>) src(%dma_wait3A_71 : memref<50x40xi32, #tpu.memory_space<hbm>>) dst(%arg9 : memref<50x40xi32, #tpu.memory_space<vmem>>)
        tpu.yield
      }) : () -> ()
      %dma_start3A = arith.constant 0 : i32
      %dma_start3A_23 = tpu.memref_slice %arg8[%dma_start3A] : memref<2000xi32, #tpu.memory_space<vmem>> -> memref<40xi32, #tpu.memory_space<vmem>>
      %dma_start3A_24 = arith.constant 0 : i32
      %dma_start3A_25 = arith.constant 0 : i32
      %dma_start3A_26 = tpu.memref_slice %arg2[%dma_start3A_24, %dma_start3A_25] : memref<10000x128xf32, #tpu.memory_space<hbm>> -> memref<10000x128xf32, #tpu.memory_space<hbm>>
      tpu.enqueue_indirect_dma source(%dma_start3A_26 : memref<10000x128xf32, #tpu.memory_space<hbm>>) target(%arg10 : memref<40x128xf32, #tpu.memory_space<vmem>>) offsets(%dma_start3A_23 : memref<40xi32, #tpu.memory_space<vmem>>) semaphore(%arg15 : memref<!tpu.dma_semaphore, #tpu.memory_space<semaphore_mem>>)
      %dma_start3A_27 = arith.constant 40 : i32
      %dma_start3A_28 = tpu.memref_slice %arg8[%dma_start3A_27] : memref<2000xi32, #tpu.memory_space<vmem>> -> memref<40xi32, #tpu.memory_space<vmem>>
      %dma_start3A_29 = arith.constant 0 : i32
      %dma_start3A_30 = arith.constant 0 : i32
      %dma_start3A_31 = tpu.memref_slice %arg2[%dma_start3A_29, %dma_start3A_30] : memref<10000x128xf32, #tpu.memory_space<hbm>> -> memref<10000x128xf32, #tpu.memory_space<hbm>>
      tpu.enqueue_indirect_dma source(%dma_start3A_31 : memref<10000x128xf32, #tpu.memory_space<hbm>>) target(%arg11 : memref<40x128xf32, #tpu.memory_space<vmem>>) offsets(%dma_start3A_28 : memref<40xi32, #tpu.memory_space<vmem>>) semaphore(%arg16 : memref<!tpu.dma_semaphore, #tpu.memory_space<semaphore_mem>>)
      %dma_start3A_32 = arith.constant 80 : i32
      %dma_start3A_33 = tpu.memref_slice %arg8[%dma_start3A_32] : memref<2000xi32, #tpu.memory_space<vmem>> -> memref<40xi32, #tpu.memory_space<vmem>>
      %dma_start3A_34 = arith.constant 0 : i32
      %dma_start3A_35 = arith.constant 0 : i32
      %dma_start3A_36 = tpu.memref_slice %arg2[%dma_start3A_34, %dma_start3A_35] : memref<10000x128xf32, #tpu.memory_space<hbm>> -> memref<10000x128xf32, #tpu.memory_space<hbm>>
      tpu.enqueue_indirect_dma source(%dma_start3A_36 : memref<10000x128xf32, #tpu.memory_space<hbm>>) target(%arg12 : memref<40x128xf32, #tpu.memory_space<vmem>>) offsets(%dma_start3A_33 : memref<40xi32, #tpu.memory_space<vmem>>) semaphore(%arg17 : memref<!tpu.dma_semaphore, #tpu.memory_space<semaphore_mem>>)
      %scan3A_37 = arith.constant 0 : i32
      %scan3A_38 = arith.constant 0 : i32
      %scan3A_39 = arith.constant 10 : i32
      %scan3A_40 = arith.addi %scan3A_38, %scan3A_39 : i32
      %scan3A_41 = arith.constant 1 : i32
      scf.for %scan3A_56 = %scan3A_38 to %scan3A_40 step %scan3A_41  : i32 {
        %mul3A_57 = arith.constant 5 : i32
        %mul3A_58 = arith.muli %scan3A_56, %mul3A_57 : i32
        %add3A_59 = arith.constant 0 : i32
        %add3A_60 = arith.addi %mul3A_58, %add3A_59 : i32
        %ge3A = arith.constant 2 : i32
        %ge3A_61 = arith.cmpi sge, %add3A_60, %ge3A : i32
        %convert_element_type3A = arith.extui %ge3A_61 : i1 to i32
        %cond3A = arith.constant 0 : i32
        %cond3A_62 = arith.cmpi ne, %convert_element_type3A, %cond3A : i32
        scf.if %cond3A_62 {
          %sub3A = arith.constant 2 : i32
          %sub3A_193 = arith.subi %add3A_60, %sub3A : i32
          %dma_wait3A_194 = arith.constant 0 : i32
          %dma_wait3A_195 = tpu.memref_slice %arg9[%sub3A_193, %dma_wait3A_194] : memref<50x40xi32, #tpu.memory_space<vmem>> -> memref<1x40xi32, #tpu.memory_space<vmem>>
          %dma_wait3A_196 = tpu.memref_squeeze %dma_wait3A_195 : memref<1x40xi32, #tpu.memory_space<vmem>> -> memref<40xi32, #tpu.memory_space<vmem>>
          %dma_wait3A_197 = arith.constant 0 : i32
          %dma_wait3A_198 = arith.constant 0 : i32
          %dma_wait3A_199 = tpu.memref_slice %arg25[%dma_wait3A_197, %dma_wait3A_198] : memref<10240x128xf32, #tpu.memory_space<vmem_shared>> -> memref<10240x128xf32, #tpu.memory_space<vmem_shared>>
          tpu.wait_indirect_dma semaphore(%arg23 : memref<!tpu.dma_semaphore, #tpu.memory_space<semaphore_mem>>) src(%arg13 : memref<40x128xf32, #tpu.memory_space<vmem>>) dst(%dma_wait3A_199 : memref<10240x128xf32, #tpu.memory_space<vmem_shared>>)
        } else {
        }
        %add3A_63 = arith.constant 3 : i32
        %add3A_64 = arith.addi %add3A_60, %add3A_63 : i32
        %lt3A = arith.constant 50 : i32
        %lt3A_65 = arith.cmpi slt, %add3A_64, %lt3A : i32
        %convert_element_type3A_66 = arith.extui %lt3A_65 : i1 to i32
        %cond3A_67 = arith.constant 0 : i32
        %cond3A_68 = arith.cmpi ne, %convert_element_type3A_66, %cond3A_67 : i32
        scf.if %cond3A_68 {
          %add3A_193 = arith.constant 3 : i32
          %add3A_194 = arith.addi %add3A_60, %add3A_193 : i32
          %mul3A_195 = arith.constant 40 : i32
          %mul3A_196 = arith.muli %add3A_194, %mul3A_195 : i32
          %dma_start3A_197 = tpu.memref_slice %arg8[%mul3A_196] : memref<2000xi32, #tpu.memory_space<vmem>> -> memref<40xi32, #tpu.memory_space<vmem>>
          %dma_start3A_198 = arith.constant 0 : i32
          %dma_start3A_199 = arith.constant 0 : i32
          %dma_start3A_200 = tpu.memref_slice %arg2[%dma_start3A_198, %dma_start3A_199] : memref<10000x128xf32, #tpu.memory_space<hbm>> -> memref<10000x128xf32, #tpu.memory_space<hbm>>
          tpu.enqueue_indirect_dma source(%dma_start3A_200 : memref<10000x128xf32, #tpu.memory_space<hbm>>) target(%arg13 : memref<40x128xf32, #tpu.memory_space<vmem>>) offsets(%dma_start3A_197 : memref<40xi32, #tpu.memory_space<vmem>>) semaphore(%arg18 : memref<!tpu.dma_semaphore, #tpu.memory_space<semaphore_mem>>)
        } else {
        }
        %mul3A_69 = arith.constant 40 : i32
        %mul3A_70 = arith.muli %add3A_60, %mul3A_69 : i32
        %dma_wait3A_71 = tpu.memref_slice %arg8[%mul3A_70] : memref<2000xi32, #tpu.memory_space<vmem>> -> memref<40xi32, #tpu.memory_space<vmem>>
        %dma_wait3A_72 = arith.constant 0 : i32
        %dma_wait3A_73 = arith.constant 0 : i32
        %dma_wait3A_74 = tpu.memref_slice %arg2[%dma_wait3A_72, %dma_wait3A_73] : memref<10000x128xf32, #tpu.memory_space<hbm>> -> memref<10000x128xf32, #tpu.memory_space<hbm>>
        tpu.wait_indirect_dma semaphore(%arg15 : memref<!tpu.dma_semaphore, #tpu.memory_space<semaphore_mem>>) src(%dma_wait3A_74 : memref<10000x128xf32, #tpu.memory_space<hbm>>) dst(%arg10 : memref<40x128xf32, #tpu.memory_space<vmem>>)
        %dma_start3A_75 = arith.constant 0 : i32
        %dma_start3A_76 = tpu.memref_slice %arg9[%add3A_60, %dma_start3A_75] : memref<50x40xi32, #tpu.memory_space<vmem>> -> memref<1x40xi32, #tpu.memory_space<vmem>>
        %dma_start3A_77 = tpu.memref_squeeze %dma_start3A_76 : memref<1x40xi32, #tpu.memory_space<vmem>> -> memref<40xi32, #tpu.memory_space<vmem>>
        %dma_start3A_78 = arith.constant 0 : i32
        %dma_start3A_79 = arith.constant 0 : i32
        %dma_start3A_80 = tpu.memref_slice %arg25[%dma_start3A_78, %dma_start3A_79] : memref<10240x128xf32, #tpu.memory_space<vmem_shared>> -> memref<10240x128xf32, #tpu.memory_space<vmem_shared>>
        tpu.enqueue_indirect_dma source(%arg10 : memref<40x128xf32, #tpu.memory_space<vmem>>) target(%dma_start3A_80 : memref<10240x128xf32, #tpu.memory_space<vmem_shared>>) offsets(%dma_start3A_77 : memref<40xi32, #tpu.memory_space<vmem>>) semaphore(%arg20 : memref<!tpu.dma_semaphore, #tpu.memory_space<semaphore_mem>>) {add = true}
        %mul3A_81 = arith.constant 5 : i32
        %mul3A_82 = arith.muli %scan3A_56, %mul3A_81 : i32
        %add3A_83 = arith.constant 1 : i32
        %add3A_84 = arith.addi %mul3A_82, %add3A_83 : i32
        %ge3A_85 = arith.constant 2 : i32
        %ge3A_86 = arith.cmpi sge, %add3A_84, %ge3A_85 : i32
        %convert_element_type3A_87 = arith.extui %ge3A_86 : i1 to i32
        %cond3A_88 = arith.constant 0 : i32
        %cond3A_89 = arith.cmpi ne, %convert_element_type3A_87, %cond3A_88 : i32
        scf.if %cond3A_89 {
          %sub3A = arith.constant 2 : i32
          %sub3A_193 = arith.subi %add3A_84, %sub3A : i32
          %dma_wait3A_194 = arith.constant 0 : i32
          %dma_wait3A_195 = tpu.memref_slice %arg9[%sub3A_193, %dma_wait3A_194] : memref<50x40xi32, #tpu.memory_space<vmem>> -> memref<1x40xi32, #tpu.memory_space<vmem>>
          %dma_wait3A_196 = tpu.memref_squeeze %dma_wait3A_195 : memref<1x40xi32, #tpu.memory_space<vmem>> -> memref<40xi32, #tpu.memory_space<vmem>>
          %dma_wait3A_197 = arith.constant 0 : i32
          %dma_wait3A_198 = arith.constant 0 : i32
          %dma_wait3A_199 = tpu.memref_slice %arg25[%dma_wait3A_197, %dma_wait3A_198] : memref<10240x128xf32, #tpu.memory_space<vmem_shared>> -> memref<10240x128xf32, #tpu.memory_space<vmem_shared>>
          tpu.wait_indirect_dma semaphore(%arg24 : memref<!tpu.dma_semaphore, #tpu.memory_space<semaphore_mem>>) src(%arg14 : memref<40x128xf32, #tpu.memory_space<vmem>>) dst(%dma_wait3A_199 : memref<10240x128xf32, #tpu.memory_space<vmem_shared>>)
        } else {
        }
        %add3A_90 = arith.constant 3 : i32
        %add3A_91 = arith.addi %add3A_84, %add3A_90 : i32
        %lt3A_92 = arith.constant 50 : i32
        %lt3A_93 = arith.cmpi slt, %add3A_91, %lt3A_92 : i32
        %convert_element_type3A_94 = arith.extui %lt3A_93 : i1 to i32
        %cond3A_95 = arith.constant 0 : i32
        %cond3A_96 = arith.cmpi ne, %convert_element_type3A_94, %cond3A_95 : i32
        scf.if %cond3A_96 {
          %add3A_193 = arith.constant 3 : i32
          %add3A_194 = arith.addi %add3A_84, %add3A_193 : i32
          %mul3A_195 = arith.constant 40 : i32
          %mul3A_196 = arith.muli %add3A_194, %mul3A_195 : i32
          %dma_start3A_197 = tpu.memref_slice %arg8[%mul3A_196] : memref<2000xi32, #tpu.memory_space<vmem>> -> memref<40xi32, #tpu.memory_space<vmem>>
          %dma_start3A_198 = arith.constant 0 : i32
          %dma_start3A_199 = arith.constant 0 : i32
          %dma_start3A_200 = tpu.memref_slice %arg2[%dma_start3A_198, %dma_start3A_199] : memref<10000x128xf32, #tpu.memory_space<hbm>> -> memref<10000x128xf32, #tpu.memory_space<hbm>>
          tpu.enqueue_indirect_dma source(%dma_start3A_200 : memref<10000x128xf32, #tpu.memory_space<hbm>>) target(%arg14 : memref<40x128xf32, #tpu.memory_space<vmem>>) offsets(%dma_start3A_197 : memref<40xi32, #tpu.memory_space<vmem>>) semaphore(%arg19 : memref<!tpu.dma_semaphore, #tpu.memory_space<semaphore_mem>>)
        } else {
        }
        %mul3A_97 = arith.constant 40 : i32
        %mul3A_98 = arith.muli %add3A_84, %mul3A_97 : i32
        %dma_wait3A_99 = tpu.memref_slice %arg8[%mul3A_98] : memref<2000xi32, #tpu.memory_space<vmem>> -> memref<40xi32, #tpu.memory_space<vmem>>
        %dma_wait3A_100 = arith.constant 0 : i32
        %dma_wait3A_101 = arith.constant 0 : i32
        %dma_wait3A_102 = tpu.memref_slice %arg2[%dma_wait3A_100, %dma_wait3A_101] : memref<10000x128xf32, #tpu.memory_space<hbm>> -> memref<10000x128xf32, #tpu.memory_space<hbm>>
        tpu.wait_indirect_dma semaphore(%arg16 : memref<!tpu.dma_semaphore, #tpu.memory_space<semaphore_mem>>) src(%dma_wait3A_102 : memref<10000x128xf32, #tpu.memory_space<hbm>>) dst(%arg11 : memref<40x128xf32, #tpu.memory_space<vmem>>)
        %dma_start3A_103 = arith.constant 0 : i32
        %dma_start3A_104 = tpu.memref_slice %arg9[%add3A_84, %dma_start3A_103] : memref<50x40xi32, #tpu.memory_space<vmem>> -> memref<1x40xi32, #tpu.memory_space<vmem>>
        %dma_start3A_105 = tpu.memref_squeeze %dma_start3A_104 : memref<1x40xi32, #tpu.memory_space<vmem>> -> memref<40xi32, #tpu.memory_space<vmem>>
        %dma_start3A_106 = arith.constant 0 : i32
        %dma_start3A_107 = arith.constant 0 : i32
        %dma_start3A_108 = tpu.memref_slice %arg25[%dma_start3A_106, %dma_start3A_107] : memref<10240x128xf32, #tpu.memory_space<vmem_shared>> -> memref<10240x128xf32, #tpu.memory_space<vmem_shared>>
        tpu.enqueue_indirect_dma source(%arg11 : memref<40x128xf32, #tpu.memory_space<vmem>>) target(%dma_start3A_108 : memref<10240x128xf32, #tpu.memory_space<vmem_shared>>) offsets(%dma_start3A_105 : memref<40xi32, #tpu.memory_space<vmem>>) semaphore(%arg21 : memref<!tpu.dma_semaphore, #tpu.memory_space<semaphore_mem>>) {add = true}
        %mul3A_109 = arith.constant 5 : i32
        %mul3A_110 = arith.muli %scan3A_56, %mul3A_109 : i32
        %add3A_111 = arith.constant 2 : i32
        %add3A_112 = arith.addi %mul3A_110, %add3A_111 : i32
        %ge3A_113 = arith.constant 2 : i32
        %ge3A_114 = arith.cmpi sge, %add3A_112, %ge3A_113 : i32
        %convert_element_type3A_115 = arith.extui %ge3A_114 : i1 to i32
        %cond3A_116 = arith.constant 0 : i32
        %cond3A_117 = arith.cmpi ne, %convert_element_type3A_115, %cond3A_116 : i32
        scf.if %cond3A_117 {
          %sub3A = arith.constant 2 : i32
          %sub3A_193 = arith.subi %add3A_112, %sub3A : i32
          %dma_wait3A_194 = arith.constant 0 : i32
          %dma_wait3A_195 = tpu.memref_slice %arg9[%sub3A_193, %dma_wait3A_194] : memref<50x40xi32, #tpu.memory_space<vmem>> -> memref<1x40xi32, #tpu.memory_space<vmem>>
          %dma_wait3A_196 = tpu.memref_squeeze %dma_wait3A_195 : memref<1x40xi32, #tpu.memory_space<vmem>> -> memref<40xi32, #tpu.memory_space<vmem>>
          %dma_wait3A_197 = arith.constant 0 : i32
          %dma_wait3A_198 = arith.constant 0 : i32
          %dma_wait3A_199 = tpu.memref_slice %arg25[%dma_wait3A_197, %dma_wait3A_198] : memref<10240x128xf32, #tpu.memory_space<vmem_shared>> -> memref<10240x128xf32, #tpu.memory_space<vmem_shared>>
          tpu.wait_indirect_dma semaphore(%arg20 : memref<!tpu.dma_semaphore, #tpu.memory_space<semaphore_mem>>) src(%arg10 : memref<40x128xf32, #tpu.memory_space<vmem>>) dst(%dma_wait3A_199 : memref<10240x128xf32, #tpu.memory_space<vmem_shared>>)
        } else {
        }
        %add3A_118 = arith.constant 3 : i32
        %add3A_119 = arith.addi %add3A_112, %add3A_118 : i32
        %lt3A_120 = arith.constant 50 : i32
        %lt3A_121 = arith.cmpi slt, %add3A_119, %lt3A_120 : i32
        %convert_element_type3A_122 = arith.extui %lt3A_121 : i1 to i32
        %cond3A_123 = arith.constant 0 : i32
        %cond3A_124 = arith.cmpi ne, %convert_element_type3A_122, %cond3A_123 : i32
        scf.if %cond3A_124 {
          %add3A_193 = arith.constant 3 : i32
          %add3A_194 = arith.addi %add3A_112, %add3A_193 : i32
          %mul3A_195 = arith.constant 40 : i32
          %mul3A_196 = arith.muli %add3A_194, %mul3A_195 : i32
          %dma_start3A_197 = tpu.memref_slice %arg8[%mul3A_196] : memref<2000xi32, #tpu.memory_space<vmem>> -> memref<40xi32, #tpu.memory_space<vmem>>
          %dma_start3A_198 = arith.constant 0 : i32
          %dma_start3A_199 = arith.constant 0 : i32
          %dma_start3A_200 = tpu.memref_slice %arg2[%dma_start3A_198, %dma_start3A_199] : memref<10000x128xf32, #tpu.memory_space<hbm>> -> memref<10000x128xf32, #tpu.memory_space<hbm>>
          tpu.enqueue_indirect_dma source(%dma_start3A_200 : memref<10000x128xf32, #tpu.memory_space<hbm>>) target(%arg10 : memref<40x128xf32, #tpu.memory_space<vmem>>) offsets(%dma_start3A_197 : memref<40xi32, #tpu.memory_space<vmem>>) semaphore(%arg15 : memref<!tpu.dma_semaphore, #tpu.memory_space<semaphore_mem>>)
        } else {
        }
        %mul3A_125 = arith.constant 40 : i32
        %mul3A_126 = arith.muli %add3A_112, %mul3A_125 : i32
        %dma_wait3A_127 = tpu.memref_slice %arg8[%mul3A_126] : memref<2000xi32, #tpu.memory_space<vmem>> -> memref<40xi32, #tpu.memory_space<vmem>>
        %dma_wait3A_128 = arith.constant 0 : i32
        %dma_wait3A_129 = arith.constant 0 : i32
        %dma_wait3A_130 = tpu.memref_slice %arg2[%dma_wait3A_128, %dma_wait3A_129] : memref<10000x128xf32, #tpu.memory_space<hbm>> -> memref<10000x128xf32, #tpu.memory_space<hbm>>
        tpu.wait_indirect_dma semaphore(%arg17 : memref<!tpu.dma_semaphore, #tpu.memory_space<semaphore_mem>>) src(%dma_wait3A_130 : memref<10000x128xf32, #tpu.memory_space<hbm>>) dst(%arg12 : memref<40x128xf32, #tpu.memory_space<vmem>>)
        %dma_start3A_131 = arith.constant 0 : i32
        %dma_start3A_132 = tpu.memref_slice %arg9[%add3A_112, %dma_start3A_131] : memref<50x40xi32, #tpu.memory_space<vmem>> -> memref<1x40xi32, #tpu.memory_space<vmem>>
        %dma_start3A_133 = tpu.memref_squeeze %dma_start3A_132 : memref<1x40xi32, #tpu.memory_space<vmem>> -> memref<40xi32, #tpu.memory_space<vmem>>
        %dma_start3A_134 = arith.constant 0 : i32
        %dma_start3A_135 = arith.constant 0 : i32
        %dma_start3A_136 = tpu.memref_slice %arg25[%dma_start3A_134, %dma_start3A_135] : memref<10240x128xf32, #tpu.memory_space<vmem_shared>> -> memref<10240x128xf32, #tpu.memory_space<vmem_shared>>
        tpu.enqueue_indirect_dma source(%arg12 : memref<40x128xf32, #tpu.memory_space<vmem>>) target(%dma_start3A_136 : memref<10240x128xf32, #tpu.memory_space<vmem_shared>>) offsets(%dma_start3A_133 : memref<40xi32, #tpu.memory_space<vmem>>) semaphore(%arg22 : memref<!tpu.dma_semaphore, #tpu.memory_space<semaphore_mem>>) {add = true}
        %mul3A_137 = arith.constant 5 : i32
        %mul3A_138 = arith.muli %scan3A_56, %mul3A_137 : i32
        %add3A_139 = arith.constant 3 : i32
        %add3A_140 = arith.addi %mul3A_138, %add3A_139 : i32
        %ge3A_141 = arith.constant 2 : i32
        %ge3A_142 = arith.cmpi sge, %add3A_140, %ge3A_141 : i32
        %convert_element_type3A_143 = arith.extui %ge3A_142 : i1 to i32
        %cond3A_144 = arith.constant 0 : i32
        %cond3A_145 = arith.cmpi ne, %convert_element_type3A_143, %cond3A_144 : i32
        scf.if %cond3A_145 {
          %sub3A = arith.constant 2 : i32
          %sub3A_193 = arith.subi %add3A_140, %sub3A : i32
          %dma_wait3A_194 = arith.constant 0 : i32
          %dma_wait3A_195 = tpu.memref_slice %arg9[%sub3A_193, %dma_wait3A_194] : memref<50x40xi32, #tpu.memory_space<vmem>> -> memref<1x40xi32, #tpu.memory_space<vmem>>
          %dma_wait3A_196 = tpu.memref_squeeze %dma_wait3A_195 : memref<1x40xi32, #tpu.memory_space<vmem>> -> memref<40xi32, #tpu.memory_space<vmem>>
          %dma_wait3A_197 = arith.constant 0 : i32
          %dma_wait3A_198 = arith.constant 0 : i32
          %dma_wait3A_199 = tpu.memref_slice %arg25[%dma_wait3A_197, %dma_wait3A_198] : memref<10240x128xf32, #tpu.memory_space<vmem_shared>> -> memref<10240x128xf32, #tpu.memory_space<vmem_shared>>
          tpu.wait_indirect_dma semaphore(%arg21 : memref<!tpu.dma_semaphore, #tpu.memory_space<semaphore_mem>>) src(%arg11 : memref<40x128xf32, #tpu.memory_space<vmem>>) dst(%dma_wait3A_199 : memref<10240x128xf32, #tpu.memory_space<vmem_shared>>)
        } else {
        }
        %add3A_146 = arith.constant 3 : i32
        %add3A_147 = arith.addi %add3A_140, %add3A_146 : i32
        %lt3A_148 = arith.constant 50 : i32
        %lt3A_149 = arith.cmpi slt, %add3A_147, %lt3A_148 : i32
        %convert_element_type3A_150 = arith.extui %lt3A_149 : i1 to i32
        %cond3A_151 = arith.constant 0 : i32
        %cond3A_152 = arith.cmpi ne, %convert_element_type3A_150, %cond3A_151 : i32
        scf.if %cond3A_152 {
          %add3A_193 = arith.constant 3 : i32
          %add3A_194 = arith.addi %add3A_140, %add3A_193 : i32
          %mul3A_195 = arith.constant 40 : i32
          %mul3A_196 = arith.muli %add3A_194, %mul3A_195 : i32
          %dma_start3A_197 = tpu.memref_slice %arg8[%mul3A_196] : memref<2000xi32, #tpu.memory_space<vmem>> -> memref<40xi32, #tpu.memory_space<vmem>>
          %dma_start3A_198 = arith.constant 0 : i32
          %dma_start3A_199 = arith.constant 0 : i32
          %dma_start3A_200 = tpu.memref_slice %arg2[%dma_start3A_198, %dma_start3A_199] : memref<10000x128xf32, #tpu.memory_space<hbm>> -> memref<10000x128xf32, #tpu.memory_space<hbm>>
          tpu.enqueue_indirect_dma source(%dma_start3A_200 : memref<10000x128xf32, #tpu.memory_space<hbm>>) target(%arg11 : memref<40x128xf32, #tpu.memory_space<vmem>>) offsets(%dma_start3A_197 : memref<40xi32, #tpu.memory_space<vmem>>) semaphore(%arg16 : memref<!tpu.dma_semaphore, #tpu.memory_space<semaphore_mem>>)
        } else {
        }
        %mul3A_153 = arith.constant 40 : i32
        %mul3A_154 = arith.muli %add3A_140, %mul3A_153 : i32
        %dma_wait3A_155 = tpu.memref_slice %arg8[%mul3A_154] : memref<2000xi32, #tpu.memory_space<vmem>> -> memref<40xi32, #tpu.memory_space<vmem>>
        %dma_wait3A_156 = arith.constant 0 : i32
        %dma_wait3A_157 = arith.constant 0 : i32
        %dma_wait3A_158 = tpu.memref_slice %arg2[%dma_wait3A_156, %dma_wait3A_157] : memref<10000x128xf32, #tpu.memory_space<hbm>> -> memref<10000x128xf32, #tpu.memory_space<hbm>>
        tpu.wait_indirect_dma semaphore(%arg18 : memref<!tpu.dma_semaphore, #tpu.memory_space<semaphore_mem>>) src(%dma_wait3A_158 : memref<10000x128xf32, #tpu.memory_space<hbm>>) dst(%arg13 : memref<40x128xf32, #tpu.memory_space<vmem>>)
        %dma_start3A_159 = arith.constant 0 : i32
        %dma_start3A_160 = tpu.memref_slice %arg9[%add3A_140, %dma_start3A_159] : memref<50x40xi32, #tpu.memory_space<vmem>> -> memref<1x40xi32, #tpu.memory_space<vmem>>
        %dma_start3A_161 = tpu.memref_squeeze %dma_start3A_160 : memref<1x40xi32, #tpu.memory_space<vmem>> -> memref<40xi32, #tpu.memory_space<vmem>>
        %dma_start3A_162 = arith.constant 0 : i32
        %dma_start3A_163 = arith.constant 0 : i32
        %dma_start3A_164 = tpu.memref_slice %arg25[%dma_start3A_162, %dma_start3A_163] : memref<10240x128xf32, #tpu.memory_space<vmem_shared>> -> memref<10240x128xf32, #tpu.memory_space<vmem_shared>>
        tpu.enqueue_indirect_dma source(%arg13 : memref<40x128xf32, #tpu.memory_space<vmem>>) target(%dma_start3A_164 : memref<10240x128xf32, #tpu.memory_space<vmem_shared>>) offsets(%dma_start3A_161 : memref<40xi32, #tpu.memory_space<vmem>>) semaphore(%arg23 : memref<!tpu.dma_semaphore, #tpu.memory_space<semaphore_mem>>) {add = true}
        %mul3A_165 = arith.constant 5 : i32
        %mul3A_166 = arith.muli %scan3A_56, %mul3A_165 : i32
        %add3A_167 = arith.constant 4 : i32
        %add3A_168 = arith.addi %mul3A_166, %add3A_167 : i32
        %ge3A_169 = arith.constant 2 : i32
        %ge3A_170 = arith.cmpi sge, %add3A_168, %ge3A_169 : i32
        %convert_element_type3A_171 = arith.extui %ge3A_170 : i1 to i32
        %cond3A_172 = arith.constant 0 : i32
        %cond3A_173 = arith.cmpi ne, %convert_element_type3A_171, %cond3A_172 : i32
        scf.if %cond3A_173 {
          %sub3A = arith.constant 2 : i32
          %sub3A_193 = arith.subi %add3A_168, %sub3A : i32
          %dma_wait3A_194 = arith.constant 0 : i32
          %dma_wait3A_195 = tpu.memref_slice %arg9[%sub3A_193, %dma_wait3A_194] : memref<50x40xi32, #tpu.memory_space<vmem>> -> memref<1x40xi32, #tpu.memory_space<vmem>>
          %dma_wait3A_196 = tpu.memref_squeeze %dma_wait3A_195 : memref<1x40xi32, #tpu.memory_space<vmem>> -> memref<40xi32, #tpu.memory_space<vmem>>
          %dma_wait3A_197 = arith.constant 0 : i32
          %dma_wait3A_198 = arith.constant 0 : i32
          %dma_wait3A_199 = tpu.memref_slice %arg25[%dma_wait3A_197, %dma_wait3A_198] : memref<10240x128xf32, #tpu.memory_space<vmem_shared>> -> memref<10240x128xf32, #tpu.memory_space<vmem_shared>>
          tpu.wait_indirect_dma semaphore(%arg22 : memref<!tpu.dma_semaphore, #tpu.memory_space<semaphore_mem>>) src(%arg12 : memref<40x128xf32, #tpu.memory_space<vmem>>) dst(%dma_wait3A_199 : memref<10240x128xf32, #tpu.memory_space<vmem_shared>>)
        } else {
        }
        %add3A_174 = arith.constant 3 : i32
        %add3A_175 = arith.addi %add3A_168, %add3A_174 : i32
        %lt3A_176 = arith.constant 50 : i32
        %lt3A_177 = arith.cmpi slt, %add3A_175, %lt3A_176 : i32
        %convert_element_type3A_178 = arith.extui %lt3A_177 : i1 to i32
        %cond3A_179 = arith.constant 0 : i32
        %cond3A_180 = arith.cmpi ne, %convert_element_type3A_178, %cond3A_179 : i32
        scf.if %cond3A_180 {
          %add3A_193 = arith.constant 3 : i32
          %add3A_194 = arith.addi %add3A_168, %add3A_193 : i32
          %mul3A_195 = arith.constant 40 : i32
          %mul3A_196 = arith.muli %add3A_194, %mul3A_195 : i32
          %dma_start3A_197 = tpu.memref_slice %arg8[%mul3A_196] : memref<2000xi32, #tpu.memory_space<vmem>> -> memref<40xi32, #tpu.memory_space<vmem>>
          %dma_start3A_198 = arith.constant 0 : i32
          %dma_start3A_199 = arith.constant 0 : i32
          %dma_start3A_200 = tpu.memref_slice %arg2[%dma_start3A_198, %dma_start3A_199] : memref<10000x128xf32, #tpu.memory_space<hbm>> -> memref<10000x128xf32, #tpu.memory_space<hbm>>
          tpu.enqueue_indirect_dma source(%dma_start3A_200 : memref<10000x128xf32, #tpu.memory_space<hbm>>) target(%arg12 : memref<40x128xf32, #tpu.memory_space<vmem>>) offsets(%dma_start3A_197 : memref<40xi32, #tpu.memory_space<vmem>>) semaphore(%arg17 : memref<!tpu.dma_semaphore, #tpu.memory_space<semaphore_mem>>)
        } else {
        }
        %mul3A_181 = arith.constant 40 : i32
        %mul3A_182 = arith.muli %add3A_168, %mul3A_181 : i32
        %dma_wait3A_183 = tpu.memref_slice %arg8[%mul3A_182] : memref<2000xi32, #tpu.memory_space<vmem>> -> memref<40xi32, #tpu.memory_space<vmem>>
        %dma_wait3A_184 = arith.constant 0 : i32
        %dma_wait3A_185 = arith.constant 0 : i32
        %dma_wait3A_186 = tpu.memref_slice %arg2[%dma_wait3A_184, %dma_wait3A_185] : memref<10000x128xf32, #tpu.memory_space<hbm>> -> memref<10000x128xf32, #tpu.memory_space<hbm>>
        tpu.wait_indirect_dma semaphore(%arg19 : memref<!tpu.dma_semaphore, #tpu.memory_space<semaphore_mem>>) src(%dma_wait3A_186 : memref<10000x128xf32, #tpu.memory_space<hbm>>) dst(%arg14 : memref<40x128xf32, #tpu.memory_space<vmem>>)
        %dma_start3A_187 = arith.constant 0 : i32
        %dma_start3A_188 = tpu.memref_slice %arg9[%add3A_168, %dma_start3A_187] : memref<50x40xi32, #tpu.memory_space<vmem>> -> memref<1x40xi32, #tpu.memory_space<vmem>>
        %dma_start3A_189 = tpu.memref_squeeze %dma_start3A_188 : memref<1x40xi32, #tpu.memory_space<vmem>> -> memref<40xi32, #tpu.memory_space<vmem>>
        %dma_start3A_190 = arith.constant 0 : i32
        %dma_start3A_191 = arith.constant 0 : i32
        %dma_start3A_192 = tpu.memref_slice %arg25[%dma_start3A_190, %dma_start3A_191] : memref<10240x128xf32, #tpu.memory_space<vmem_shared>> -> memref<10240x128xf32, #tpu.memory_space<vmem_shared>>
        tpu.enqueue_indirect_dma source(%arg14 : memref<40x128xf32, #tpu.memory_space<vmem>>) target(%dma_start3A_192 : memref<10240x128xf32, #tpu.memory_space<vmem_shared>>) offsets(%dma_start3A_189 : memref<40xi32, #tpu.memory_space<vmem>>) semaphore(%arg24 : memref<!tpu.dma_semaphore, #tpu.memory_space<semaphore_mem>>) {add = true}
      }
      %scan3A_42 = arith.constant 10 : i32
      %dma_wait3A = arith.constant 48 : i32
      %dma_wait3A_43 = arith.constant 0 : i32
      %dma_wait3A_44 = tpu.memref_slice %arg9[%dma_wait3A, %dma_wait3A_43] : memref<50x40xi32, #tpu.memory_space<vmem>> -> memref<1x40xi32, #tpu.memory_space<vmem>>
      %dma_wait3A_45 = tpu.memref_squeeze %dma_wait3A_44 : memref<1x40xi32, #tpu.memory_space<vmem>> -> memref<40xi32, #tpu.memory_space<vmem>>
      %dma_wait3A_46 = arith.constant 0 : i32
      %dma_wait3A_47 = arith.constant 0 : i32
      %dma_wait3A_48 = tpu.memref_slice %arg25[%dma_wait3A_46, %dma_wait3A_47] : memref<10240x128xf32, #tpu.memory_space<vmem_shared>> -> memref<10240x128xf32, #tpu.memory_space<vmem_shared>>
      tpu.wait_indirect_dma semaphore(%arg23 : memref<!tpu.dma_semaphore, #tpu.memory_space<semaphore_mem>>) src(%arg13 : memref<40x128xf32, #tpu.memory_space<vmem>>) dst(%dma_wait3A_48 : memref<10240x128xf32, #tpu.memory_space<vmem_shared>>)
      %dma_wait3A_49 = arith.constant 49 : i32
      %dma_wait3A_50 = arith.constant 0 : i32
      %dma_wait3A_51 = tpu.memref_slice %arg9[%dma_wait3A_49, %dma_wait3A_50] : memref<50x40xi32, #tpu.memory_space<vmem>> -> memref<1x40xi32, #tpu.memory_space<vmem>>
      %dma_wait3A_52 = tpu.memref_squeeze %dma_wait3A_51 : memref<1x40xi32, #tpu.memory_space<vmem>> -> memref<40xi32, #tpu.memory_space<vmem>>
      %dma_wait3A_53 = arith.constant 0 : i32
      %dma_wait3A_54 = arith.constant 0 : i32
      %dma_wait3A_55 = tpu.memref_slice %arg25[%dma_wait3A_53, %dma_wait3A_54] : memref<10240x128xf32, #tpu.memory_space<vmem_shared>> -> memref<10240x128xf32, #tpu.memory_space<vmem_shared>>
      tpu.wait_indirect_dma semaphore(%arg24 : memref<!tpu.dma_semaphore, #tpu.memory_space<semaphore_mem>>) src(%arg14 : memref<40x128xf32, #tpu.memory_space<vmem>>) dst(%dma_wait3A_55 : memref<10240x128xf32, #tpu.memory_space<vmem_shared>>)
    }
    %scan3A_9 = arith.constant 5 : i32
    %barrier3A_10 = arith.constant 0 : index
    tpu.barrier barrier_id(%barrier3A_10)
    %mul3A_11 = arith.constant 640 : i32
    %mul3A_12 = arith.muli %arg1, %mul3A_11 : i32
    %mul3A_13 = arith.constant 640 : i32
    %mul3A_14 = arith.muli %arg1, %mul3A_13 : i32
    "tpu.region"() ({
      %run_scoped3A = tpu.sem_alloc : memref<!tpu.dma_semaphore, #tpu.memory_space<semaphore_mem>>
      %dma_start3A = arith.constant 0 : i32
      %dma_start3A_15 = tpu.memref_slice %arg7[%arg0, %mul3A_14, %dma_start3A] : memref<2x10240x128xf32, #tpu.memory_space<hbm>> -> memref<1x640x128xf32, #tpu.memory_space<hbm>>
      %dma_start3A_16 = tpu.memref_squeeze %dma_start3A_15 : memref<1x640x128xf32, #tpu.memory_space<hbm>> -> memref<640x128xf32, #tpu.memory_space<hbm>>
      %dma_start3A_17 = arith.constant 0 : i32
      %dma_start3A_18 = tpu.memref_slice %arg25[%mul3A_12, %dma_start3A_17] : memref<10240x128xf32, #tpu.memory_space<vmem_shared>> -> memref<640x128xf32, #tpu.memory_space<vmem_shared>>
      tpu.enqueue_dma source(%dma_start3A_18 : memref<640x128xf32, #tpu.memory_space<vmem_shared>>) target(%dma_start3A_16 : memref<640x128xf32, #tpu.memory_space<hbm>>) target_semaphore(%run_scoped3A : memref<!tpu.dma_semaphore, #tpu.memory_space<semaphore_mem>>)
      %dma_wait3A = arith.constant 0 : i32
      %dma_wait3A_19 = tpu.memref_slice %arg7[%arg0, %mul3A_14, %dma_wait3A] : memref<2x10240x128xf32, #tpu.memory_space<hbm>> -> memref<1x640x128xf32, #tpu.memory_space<hbm>>
      %dma_wait3A_20 = tpu.memref_squeeze %dma_wait3A_19 : memref<1x640x128xf32, #tpu.memory_space<hbm>> -> memref<640x128xf32, #tpu.memory_space<hbm>>
      %dma_wait3A_21 = arith.constant 0 : i32
      %dma_wait3A_22 = tpu.memref_slice %arg25[%mul3A_12, %dma_wait3A_21] : memref<10240x128xf32, #tpu.memory_space<vmem_shared>> -> memref<640x128xf32, #tpu.memory_space<vmem_shared>>
      tpu.wait_dma2 semaphore(%run_scoped3A : memref<!tpu.dma_semaphore, #tpu.memory_space<semaphore_mem>>) src(%dma_wait3A_22 : memref<640x128xf32, #tpu.memory_space<vmem_shared>>) dst(%dma_wait3A_20 : memref<640x128xf32, #tpu.memory_space<hbm>>)
      tpu.yield
    }) : () -> ()
    return
  }
}

module attributes {stable_mosaic.version = 14 : i64} {
  func.func @_dense1_body(%arg0: i32, %arg1: memref<1000x128xf32, #tpu.memory_space<vmem>>, %arg2: memref<2x1000x128xf32, #tpu.memory_space<vmem>>, %arg3: memref<1000x32xf32, #tpu.memory_space<vmem>>, %arg4: memref<256x128xf32, #tpu.memory_space<vmem>>, %arg5: memref<1x128xf32, #tpu.memory_space<vmem>>, %arg6: memref<1000x128xf32, #tpu.memory_space<vmem>>) attributes {dimension_semantics = [#tpu.dimension_semantics<arbitrary>], iteration_bounds = array<i64: 10>, scalar_prefetch = 0 : i64, scratch_operands = 0 : i64, tpu.core_type = #tpu.core_type<tc>, window_params = [{transform_indices = @transform_0, window_bounds = array<i64: 1000, 128>}, {transform_indices = @transform_1, window_bounds = array<i64: 2, 1000, 128>}, {transform_indices = @transform_2, window_bounds = array<i64: 1000, 32>}, {pipeline_mode = #tpu.pipeline_mode<synchronous>, transform_indices = @transform_3, window_bounds = array<i64: 256, 128>}, {pipeline_mode = #tpu.pipeline_mode<synchronous>, transform_indices = @transform_4, window_bounds = array<i64: 1, 128>}, {transform_indices = @transform_5, window_bounds = array<i64: 1000, 128>}]} {
    %get3A = arith.constant 0 : index
    %get3A_0 = arith.constant 0 : index
    %get3A_1 = vector.load %arg3[%get3A, %get3A_0] : memref<1000x32xf32, #tpu.memory_space<vmem>>, vector<1000x32xf32>
    %reduce_sum3A = arith.constant dense<0.000000e+00> : vector<1000xf32>
    %reduce_sum3A_2 = vector.multi_reduction <add>, %get3A_1, %reduce_sum3A [1] : vector<1000x32xf32> to vector<1000xf32>
    %max3A = arith.constant 1.000000e+00 : f32
    %max3A_3 = vector.broadcast %max3A : f32 to vector<1000xf32>
    %max3A_4 = arith.maximumf %reduce_sum3A_2, %max3A_3 : vector<1000xf32>
    %reshape3A = vector.shape_cast %max3A_4 : vector<1000xf32> to vector<1000x1xf32>
    %get3A_5 = arith.constant 0 : index
    %get3A_6 = arith.constant 0 : index
    %get3A_7 = arith.constant 0 : index
    %get3A_8 = vector.load %arg2[%get3A_5, %get3A_6, %get3A_7] : memref<2x1000x128xf32, #tpu.memory_space<vmem>>, vector<1x1000x128xf32>
    %get3A_9 = vector.shape_cast %get3A_8 : vector<1x1000x128xf32> to vector<1000x128xf32>
    %get3A_10 = arith.constant 1 : index
    %get3A_11 = arith.constant 0 : index
    %get3A_12 = arith.constant 0 : index
    %get3A_13 = vector.load %arg2[%get3A_10, %get3A_11, %get3A_12] : memref<2x1000x128xf32, #tpu.memory_space<vmem>>, vector<1x1000x128xf32>
    %get3A_14 = vector.shape_cast %get3A_13 : vector<1x1000x128xf32> to vector<1000x128xf32>
    %add3A = arith.addf %get3A_9, %get3A_14 : vector<1000x128xf32>
    %div3A = vector.broadcast %reshape3A : vector<1000x1xf32> to vector<1000x128xf32>
    %div3A_15 = arith.divf %add3A, %div3A : vector<1000x128xf32>
    %get3A_16 = arith.constant 0 : index
    %get3A_17 = arith.constant 0 : index
    %get3A_18 = vector.load %arg1[%get3A_16, %get3A_17] : memref<1000x128xf32, #tpu.memory_space<vmem>>, vector<1000x128xf32>
    %get3A_19 = arith.constant 0 : index
    %get3A_20 = arith.constant 0 : index
    %get3A_21 = vector.load %arg4[%get3A_19, %get3A_20] : memref<256x128xf32, #tpu.memory_space<vmem>>, vector<128x128xf32>
    %dot_general3A = arith.constant dense<0.000000e+00> : vector<1000x128xf32>
    %dot_general3A_22 = tpu.matmul %get3A_18, %get3A_21, %dot_general3A {dimension_numbers = #tpu.dot_dimension_numbers<[1], [0], [0], [1], [0, 0, 1, 1], [], []>, transpose_lhs_hint = false} : vector<1000x128xf32>, vector<128x128xf32>, vector<1000x128xf32> -> vector<1000x128xf32>
    %get3A_23 = arith.constant 128 : index
    %get3A_24 = arith.constant 0 : index
    %get3A_25 = vector.load %arg4[%get3A_23, %get3A_24] : memref<256x128xf32, #tpu.memory_space<vmem>>, vector<128x128xf32>
    %dot_general3A_26 = arith.constant dense<0.000000e+00> : vector<1000x128xf32>
    %dot_general3A_27 = tpu.matmul %div3A_15, %get3A_25, %dot_general3A_26 {dimension_numbers = #tpu.dot_dimension_numbers<[1], [0], [0], [1], [0, 0, 1, 1], [], []>, transpose_lhs_hint = false} : vector<1000x128xf32>, vector<128x128xf32>, vector<1000x128xf32> -> vector<1000x128xf32>
    %add3A_28 = arith.addf %dot_general3A_22, %dot_general3A_27 : vector<1000x128xf32>
    %get3A_29 = arith.constant 0 : index
    %get3A_30 = arith.constant 0 : index
    %get3A_31 = vector.load %arg5[%get3A_29, %get3A_30] : memref<1x128xf32, #tpu.memory_space<vmem>>, vector<1x128xf32>
    %add3A_32 = vector.broadcast %get3A_31 : vector<1x128xf32> to vector<1000x128xf32>
    %add3A_33 = arith.addf %add3A_28, %add3A_32 : vector<1000x128xf32>
    %max3A_34 = arith.constant 0.000000e+00 : f32
    %max3A_35 = vector.broadcast %max3A_34 : f32 to vector<1000x128xf32>
    %max3A_36 = arith.maximumf %add3A_33, %max3A_35 : vector<1000x128xf32>
    %swap3A = arith.constant 0 : index
    %swap3A_37 = arith.constant 0 : index
    %swap3A_38 = vector.load %arg6[%swap3A, %swap3A_37] : memref<1000x128xf32, #tpu.memory_space<vmem>>, vector<1000x128xf32>
    tpu.vector_store %arg6[%swap3A, %swap3A_37], %max3A_36 {strides = array<i32>} : memref<1000x128xf32, #tpu.memory_space<vmem>>, vector<1000x128xf32>,
    return
  }
  func.func @transform_0(%arg0: i32) -> (i32, i32) {
    %c0_i32 = arith.constant 0 : i32
    %c0_i32_0 = arith.constant 0 : i32
    return %arg0, %c0_i32 : i32, i32
  }
  func.func @transform_1(%arg0: i32) -> (i32, i32, i32) {
    %c0_i32 = arith.constant 0 : i32
    %c0_i32_0 = arith.constant 0 : i32
    %c0_i32_1 = arith.constant 0 : i32
    return %c0_i32, %arg0, %c0_i32_0 : i32, i32, i32
  }
  func.func @transform_2(%arg0: i32) -> (i32, i32) {
    %c0_i32 = arith.constant 0 : i32
    %c0_i32_0 = arith.constant 0 : i32
    return %arg0, %c0_i32 : i32, i32
  }
  func.func @transform_3(%arg0: i32) -> (i32, i32) {
    %c0_i32 = arith.constant 0 : i32
    %c0_i32_0 = arith.constant 0 : i32
    %c0_i32_1 = arith.constant 0 : i32
    return %c0_i32, %c0_i32_0 : i32, i32
  }
  func.func @transform_4(%arg0: i32) -> (i32, i32) {
    %c0_i32 = arith.constant 0 : i32
    %c0_i32_0 = arith.constant 0 : i32
    %c0_i32_1 = arith.constant 0 : i32
    return %c0_i32, %c0_i32_0 : i32, i32
  }
  func.func @transform_5(%arg0: i32) -> (i32, i32) {
    %c0_i32 = arith.constant 0 : i32
    %c0_i32_0 = arith.constant 0 : i32
    return %arg0, %c0_i32 : i32, i32
  }
}

module attributes {stable_mosaic.version = 14 : i64} {
  func.func @_dense2_body(%arg0: i32, %arg1: memref<1000x128xf32, #tpu.memory_space<vmem>>, %arg2: memref<2x1000x128xf32, #tpu.memory_space<vmem>>, %arg3: memref<1000x32xf32, #tpu.memory_space<vmem>>, %arg4: memref<256x128xf32, #tpu.memory_space<vmem>>, %arg5: memref<1x128xf32, #tpu.memory_space<vmem>>, %arg6: memref<128x1xf32, #tpu.memory_space<vmem>>, %arg7: memref<1x1xf32, #tpu.memory_space<vmem>>, %arg8: memref<1000x1xf32, #tpu.memory_space<vmem>>) attributes {dimension_semantics = [#tpu.dimension_semantics<arbitrary>], iteration_bounds = array<i64: 10>, scalar_prefetch = 0 : i64, scratch_operands = 0 : i64, tpu.core_type = #tpu.core_type<tc>, window_params = [{transform_indices = @transform_0, window_bounds = array<i64: 1000, 128>}, {transform_indices = @transform_1, window_bounds = array<i64: 2, 1000, 128>}, {transform_indices = @transform_2, window_bounds = array<i64: 1000, 32>}, {pipeline_mode = #tpu.pipeline_mode<synchronous>, transform_indices = @transform_3, window_bounds = array<i64: 256, 128>}, {pipeline_mode = #tpu.pipeline_mode<synchronous>, transform_indices = @transform_4, window_bounds = array<i64: 1, 128>}, {pipeline_mode = #tpu.pipeline_mode<synchronous>, transform_indices = @transform_5, window_bounds = array<i64: 128, 1>}, {pipeline_mode = #tpu.pipeline_mode<synchronous>, transform_indices = @transform_6, window_bounds = array<i64: 1, 1>}, {transform_indices = @transform_7, window_bounds = array<i64: 1000, 1>}]} {
    %get3A = arith.constant 0 : index
    %get3A_0 = arith.constant 0 : index
    %get3A_1 = vector.load %arg3[%get3A, %get3A_0] : memref<1000x32xf32, #tpu.memory_space<vmem>>, vector<1000x32xf32>
    %reduce_sum3A = arith.constant dense<0.000000e+00> : vector<1000xf32>
    %reduce_sum3A_2 = vector.multi_reduction <add>, %get3A_1, %reduce_sum3A [1] : vector<1000x32xf32> to vector<1000xf32>
    %max3A = arith.constant 1.000000e+00 : f32
    %max3A_3 = vector.broadcast %max3A : f32 to vector<1000xf32>
    %max3A_4 = arith.maximumf %reduce_sum3A_2, %max3A_3 : vector<1000xf32>
    %reshape3A = vector.shape_cast %max3A_4 : vector<1000xf32> to vector<1000x1xf32>
    %get3A_5 = arith.constant 0 : index
    %get3A_6 = arith.constant 0 : index
    %get3A_7 = arith.constant 0 : index
    %get3A_8 = vector.load %arg2[%get3A_5, %get3A_6, %get3A_7] : memref<2x1000x128xf32, #tpu.memory_space<vmem>>, vector<1x1000x128xf32>
    %get3A_9 = vector.shape_cast %get3A_8 : vector<1x1000x128xf32> to vector<1000x128xf32>
    %get3A_10 = arith.constant 1 : index
    %get3A_11 = arith.constant 0 : index
    %get3A_12 = arith.constant 0 : index
    %get3A_13 = vector.load %arg2[%get3A_10, %get3A_11, %get3A_12] : memref<2x1000x128xf32, #tpu.memory_space<vmem>>, vector<1x1000x128xf32>
    %get3A_14 = vector.shape_cast %get3A_13 : vector<1x1000x128xf32> to vector<1000x128xf32>
    %add3A = arith.addf %get3A_9, %get3A_14 : vector<1000x128xf32>
    %div3A = vector.broadcast %reshape3A : vector<1000x1xf32> to vector<1000x128xf32>
    %div3A_15 = arith.divf %add3A, %div3A : vector<1000x128xf32>
    %get3A_16 = arith.constant 0 : index
    %get3A_17 = arith.constant 0 : index
    %get3A_18 = vector.load %arg1[%get3A_16, %get3A_17] : memref<1000x128xf32, #tpu.memory_space<vmem>>, vector<1000x128xf32>
    %get3A_19 = arith.constant 0 : index
    %get3A_20 = arith.constant 0 : index
    %get3A_21 = vector.load %arg4[%get3A_19, %get3A_20] : memref<256x128xf32, #tpu.memory_space<vmem>>, vector<128x128xf32>
    %dot_general3A = arith.constant dense<0.000000e+00> : vector<1000x128xf32>
    %dot_general3A_22 = tpu.matmul %get3A_18, %get3A_21, %dot_general3A {dimension_numbers = #tpu.dot_dimension_numbers<[1], [0], [0], [1], [0, 0, 1, 1], [], []>, transpose_lhs_hint = false} : vector<1000x128xf32>, vector<128x128xf32>, vector<1000x128xf32> -> vector<1000x128xf32>
    %get3A_23 = arith.constant 128 : index
    %get3A_24 = arith.constant 0 : index
    %get3A_25 = vector.load %arg4[%get3A_23, %get3A_24] : memref<256x128xf32, #tpu.memory_space<vmem>>, vector<128x128xf32>
    %dot_general3A_26 = arith.constant dense<0.000000e+00> : vector<1000x128xf32>
    %dot_general3A_27 = tpu.matmul %div3A_15, %get3A_25, %dot_general3A_26 {dimension_numbers = #tpu.dot_dimension_numbers<[1], [0], [0], [1], [0, 0, 1, 1], [], []>, transpose_lhs_hint = false} : vector<1000x128xf32>, vector<128x128xf32>, vector<1000x128xf32> -> vector<1000x128xf32>
    %add3A_28 = arith.addf %dot_general3A_22, %dot_general3A_27 : vector<1000x128xf32>
    %get3A_29 = arith.constant 0 : index
    %get3A_30 = arith.constant 0 : index
    %get3A_31 = vector.load %arg5[%get3A_29, %get3A_30] : memref<1x128xf32, #tpu.memory_space<vmem>>, vector<1x128xf32>
    %add3A_32 = vector.broadcast %get3A_31 : vector<1x128xf32> to vector<1000x128xf32>
    %add3A_33 = arith.addf %add3A_28, %add3A_32 : vector<1000x128xf32>
    %max3A_34 = arith.constant 0.000000e+00 : f32
    %max3A_35 = vector.broadcast %max3A_34 : f32 to vector<1000x128xf32>
    %max3A_36 = arith.maximumf %add3A_33, %max3A_35 : vector<1000x128xf32>
    %get3A_37 = arith.constant 0 : index
    %get3A_38 = arith.constant 0 : index
    %get3A_39 = vector.load %arg6[%get3A_37, %get3A_38] : memref<128x1xf32, #tpu.memory_space<vmem>>, vector<128x1xf32>
    %dot_general3A_40 = arith.constant dense<0.000000e+00> : vector<1000x1xf32>
    %dot_general3A_41 = tpu.matmul %max3A_36, %get3A_39, %dot_general3A_40 {dimension_numbers = #tpu.dot_dimension_numbers<[1], [0], [0], [1], [0, 0, 1, 1], [], []>, transpose_lhs_hint = false} : vector<1000x128xf32>, vector<128x1xf32>, vector<1000x1xf32> -> vector<1000x1xf32>
    %get3A_42 = arith.constant 0 : index
    %get3A_43 = arith.constant 0 : index
    %get3A_44 = vector.load %arg7[%get3A_42, %get3A_43] : memref<1x1xf32, #tpu.memory_space<vmem>>, vector<1x1xf32>
    %add3A_45 = vector.broadcast %get3A_44 : vector<1x1xf32> to vector<1000x1xf32>
    %add3A_46 = arith.addf %dot_general3A_41, %add3A_45 : vector<1000x1xf32>
    %logistic3A = arith.negf %add3A_46 : vector<1000x1xf32>
    %logistic3A_47 = math.exp %logistic3A : vector<1000x1xf32>
    %logistic3A_48 = arith.constant 1.000000e+00 : f32
    %logistic3A_49 = vector.broadcast %logistic3A_48 : f32 to vector<1000x1xf32>
    %logistic3A_50 = arith.addf %logistic3A_49, %logistic3A_47 : vector<1000x1xf32>
    %logistic3A_51 = arith.divf %logistic3A_49, %logistic3A_50 : vector<1000x1xf32>
    %swap3A = arith.constant 0 : index
    %swap3A_52 = arith.constant 0 : index
    %swap3A_53 = vector.load %arg8[%swap3A, %swap3A_52] : memref<1000x1xf32, #tpu.memory_space<vmem>>, vector<1000x1xf32>
    tpu.vector_store %arg8[%swap3A, %swap3A_52], %logistic3A_51 {strides = array<i32>} : memref<1000x1xf32, #tpu.memory_space<vmem>>, vector<1000x1xf32>,
    return
  }
  func.func @transform_0(%arg0: i32) -> (i32, i32) {
    %c0_i32 = arith.constant 0 : i32
    %c0_i32_0 = arith.constant 0 : i32
    return %arg0, %c0_i32 : i32, i32
  }
  func.func @transform_1(%arg0: i32) -> (i32, i32, i32) {
    %c0_i32 = arith.constant 0 : i32
    %c0_i32_0 = arith.constant 0 : i32
    %c0_i32_1 = arith.constant 0 : i32
    return %c0_i32, %arg0, %c0_i32_0 : i32, i32, i32
  }
  func.func @transform_2(%arg0: i32) -> (i32, i32) {
    %c0_i32 = arith.constant 0 : i32
    %c0_i32_0 = arith.constant 0 : i32
    return %arg0, %c0_i32 : i32, i32
  }
  func.func @transform_3(%arg0: i32) -> (i32, i32) {
    %c0_i32 = arith.constant 0 : i32
    %c0_i32_0 = arith.constant 0 : i32
    %c0_i32_1 = arith.constant 0 : i32
    return %c0_i32, %c0_i32_0 : i32, i32
  }
  func.func @transform_4(%arg0: i32) -> (i32, i32) {
    %c0_i32 = arith.constant 0 : i32
    %c0_i32_0 = arith.constant 0 : i32
    %c0_i32_1 = arith.constant 0 : i32
    return %c0_i32, %c0_i32_0 : i32, i32
  }
  func.func @transform_5(%arg0: i32) -> (i32, i32) {
    %c0_i32 = arith.constant 0 : i32
    %c0_i32_0 = arith.constant 0 : i32
    %c0_i32_1 = arith.constant 0 : i32
    return %c0_i32, %c0_i32_0 : i32, i32
  }
  func.func @transform_6(%arg0: i32) -> (i32, i32) {
    %c0_i32 = arith.constant 0 : i32
    %c0_i32_0 = arith.constant 0 : i32
    %c0_i32_1 = arith.constant 0 : i32
    return %c0_i32, %c0_i32_0 : i32, i32
  }
  func.func @transform_7(%arg0: i32) -> (i32, i32) {
    %c0_i32 = arith.constant 0 : i32
    %c0_i32_0 = arith.constant 0 : i32
    return %arg0, %c0_i32 : i32, i32
  }
}

</mosaic_0001>

<sc_bundles>
// kernel: kernel.10.cloned.1.call-start
scs
__scs_entry_jumppad:
0x0: {  	(pc) =	sbr.rel $0x88, $3  }
0x1: {  	(tag) =	ssettag $0x0;
	lr =	simm.s32 $0x1  }
0x2: {  	[smem:$0x3F99] =	sst lr;
	_ =	strace $0xD0000000  }
0x3: {  	_ = 	snop  }
0x4: {  	_ = 	snop  }
0x5: {  	_ = 	snop  }
0x6: {  	_ = 	snop  }
0x7: {  	_ = 	snop  }
__scs_overlays_trampoline_lowered:
0x8: {  	[smem:$0x3FA8] =	sst s0  }
0x9: {  	[smem:$0x3FA9] =	sst s1  }
0xa: {  	[smem:$0x3FAA] =	sst s2  }
0xb: {  	[smem:$0x3FAB] =	sst s3  }
0xc: {  	[smem:$0x3FAC] =	sst s4  }
0xd: {  	[smem:$0x3FAD] =	sst s5  }
0xe: {  	[smem:$0x3FAE] =	sst s6  }
0xf: {  	[smem:$0x3FAF] =	sst s7  }
0x10: {  	[smem:$0x3FB0] =	sst s8  }
0x11: {  	[smem:$0x3FB1] =	sst s9;
	s0 =	simm.s32 @!p0 $0x0  }
0x12: {  	s1 =	sld [smem:$0x3F97];
	s0 =	simm.s32 @p0 $0x1  }
0x13: {  	[smem:$0x3FB2] =	sst s0;
	s0 =	simm.s32 @!p1 $0x0  }
0x14: {  	s2 =	sld [smem:$0x3F96];
	s0 =	simm.s32 @p1 $0x1  }
0x15: {  	[smem:$0x3FB3] =	sst s0;
	s0 =	simm.s32 @!p2 $0x0  }
0x16: {  	s3 =	sld [smem:$0x3FDB];
	s0 =	simm.s32 @p2 $0x1  }
0x17: {  	s4 =	simm.s32 $0x1BF5;
	[smem:$0x3FB5] =	sst s0  }
0x18: {  	s0 =	sld [smem:$0x3F98];
	_ =	swait.ge [sflag:s4], $0x0  }
0x19: {  	s7 =	sld [smem:$0x3F99]  }
0x1a: {  	s8 =	sadd.s32 $0xFFFFE003, lr  }
0x1b: {  	s9 =	sadd.s32 $0xFFFFFEF7, lr;
	s5 =	simm.s32 $0xFFFFFFFF;
	p2 =	slt.u32 s8, $0xFFFFF086  }
0x1c: {  	p1 =	slt.u32 s9, $0xF7A;
	s5 =	simm.s32 @!p2 $0x0  }
0x1d: {  	s5 =	simm.s32 @p1 $0x1;
	p0 =	seq.s32 s7, s2  }
0x1e: {  	s7 =	smul.u32 @!p0 $0xF7A, s2;
	p2 =	seq.s32 @!p0 s5, $0x0  }
0x1f: {  	s9 =	smul.u32 $0xF7A, s1;
	s8 =	simm.s32 @!p0 $0x1BF5;
	p2 =	por !p2, p0  }
0x20: {  	[sflag:s8] =	ssyncset.s32 @!p0 $0xFFFFF086;
	s6 =	sadd.s32 @!p0 s3, s7;
	s7 =	simm.s32 @!p0 $0x108  }
0x21: {  	s3 =	sadd.s32 s3, s9;
	s6 =	sadd.s32 @!p0 $0x88, s6;
	s7 =	simm.s32 @p2 $0x1082  }
0x22: {  	[simem:s7], [sflag:s8] =	dma.local @!p0 [hbm:s6], $0xF7A  }
0x23: {  	s9 =	sor.u32 $0xD0000000, s2;
	s6 =	simm.s32 $0x108;
	_ =	swait.ge @!p0 [sflag:s8], $0x0  }
0x24: {  	s3 =	sadd.s32 $0x88, s3;
	s6 =	simm.s32 @!p1 $0x1082;
	[sflag:s4] =	ssyncset.s32 $0xFFFFF086  }
0x25: {  	[simem:s6], [sflag:s4] =	dma.local [hbm:s3], $0xF7A  }
0x26: {  	[smem:$0x3F99] =	sst s1;
	(tag) =	ssettag s2;
	_ =	strace s9  }
0x27: {  	s1 =	sld [smem:$0x3FA9]  }
0x28: {  	s2 =	sld [smem:$0x3FAA]  }
0x29: {  	s4 =	sld [smem:$0x3FAC]  }
0x2a: {  	p0 =	seq.s32 s5, $0x0;
	s5 =	sld [smem:$0x3FAD]  }
0x2b: {  	s6 =	sld [smem:$0x3FAE]  }
0x2c: {  	s7 =	sld [smem:$0x3FAF]  }
0x2d: {  	s3 =	simm.s32 $0x108;
	s8 =	sld [smem:$0x3FB0]  }
0x2e: {  	s3 =	simm.s32 @!p0 $0x1082;
	s9 =	sld [smem:$0x3FB1]  }
0x2f: {  	lr =	sadd.s32 s0, s3;
	s0 =	sld [smem:$0x3FA8]  }
0x30: {  	s3 =	sld [smem:$0x3FAB]  }
0x31: {  	[smem:$0x3FB4] =	sst s10  }
0x32: {  	s10 =	sld [smem:$0x3FB2];
	_ =	sdelay $0x3  }
0x33: {  	p0 =	seq.s32 s10, $0x1;
	s10 =	sld [smem:$0x3FB4];
	_ =	sdelay $0x3  }
0x34: {  	[smem:$0x3FB4] =	sst s10  }
0x35: {  	s10 =	sld [smem:$0x3FB3];
	_ =	sdelay $0x3  }
0x36: {  	p1 =	seq.s32 s10, $0x1;
	s10 =	sld [smem:$0x3FB4];
	_ =	sdelay $0x3  }
0x37: {  	[smem:$0x3FB4] =	sst s10  }
0x38: {  	s10 =	sld [smem:$0x3FB5]  }
0x39: {  	_ = 	snop;
	(pc) =	sbr.ind lr, $3  }
0x3a: {  	_ = 	snop  }
0x3b: {  	_ = 	snop  }
0x3c: {  	p2 =	seq.s32 s10, $0x1;
	s10 =	sld [smem:$0x3FB4]  }
0x3d: {  	_ =	shalt  }
0x3e: {  	_ =	shalt  }
0x3f: {  	_ =	shalt  }
0x40: {  	_ =	shalt  }
0x41: {  	_ =	shalt  }
0x42: {  	_ =	shalt  }
0x43: {  	_ =	shalt  }
0x44: {  	_ =	shalt  }
0x45: {  	_ =	shalt  }
0x46: {  	_ =	shalt  }
0x47: {  	_ =	shalt  }
0x48: {  	_ =	shalt  }
0x49: {  	_ =	shalt  }
0x4a: {  	_ =	shalt  }
0x4b: {  	_ =	shalt  }
0x4c: {  	_ =	shalt  }
0x4d: {  	_ =	shalt  }
0x4e: {  	_ =	shalt  }
0x4f: {  	_ =	shalt  }
0x50: {  	_ =	shalt  }
0x51: {  	_ =	shalt  }
0x52: {  	_ =	shalt  }
0x53: {  	_ =	shalt  }
0x54: {  	_ =	shalt  }
0x55: {  	_ =	shalt  }
0x56: {  	_ =	shalt  }
0x57: {  	_ =	shalt  }
0x58: {  	_ =	shalt  }
0x59: {  	_ =	shalt  }
0x5a: {  	_ =	shalt  }
0x5b: {  	_ =	shalt  }
0x5c: {  	_ =	shalt  }
0x5d: {  	_ =	shalt  }
0x5e: {  	_ =	shalt  }
0x5f: {  	_ =	shalt  }
0x60: {  	_ =	shalt  }
0x61: {  	_ =	shalt  }
0x62: {  	_ =	shalt  }
0x63: {  	_ =	shalt  }
0x64: {  	_ =	shalt  }
0x65: {  	_ =	shalt  }
0x66: {  	_ =	shalt  }
0x67: {  	_ =	shalt  }
0x68: {  	_ =	shalt  }
0x69: {  	_ =	shalt  }
0x6a: {  	_ =	shalt  }
0x6b: {  	_ =	shalt  }
0x6c: {  	_ =	shalt  }
0x6d: {  	_ =	shalt  }
0x6e: {  	_ =	shalt  }
0x6f: {  	_ =	shalt  }
0x70: {  	_ =	shalt  }
0x71: {  	_ =	shalt  }
0x72: {  	_ =	shalt  }
0x73: {  	_ =	shalt  }
0x74: {  	_ =	shalt  }
0x75: {  	_ =	shalt  }
0x76: {  	_ =	shalt  }
0x77: {  	_ =	shalt  }
0x78: {  	_ =	shalt  }
0x79: {  	_ =	shalt  }
0x7a: {  	_ =	shalt  }
0x7b: {  	_ =	shalt  }
0x7c: {  	_ =	shalt  }
0x7d: {  	_ =	shalt  }
0x7e: {  	_ =	shalt  }
0x7f: {  	_ =	shalt  }
0x80: {  	_ =	shalt  }
0x81: {  	_ =	shalt  }
0x82: {  	_ =	shalt  }
0x83: {  	_ =	shalt  }
0x84: {  	_ =	shalt  }
0x85: {  	_ =	shalt  }
0x86: {  	_ =	shalt  }
0x87: {  	_ =	shalt  }
.Lfunc_end0:
.L_simem_size_0:
called_computation.1_lowered:
.L_overlay_start_0:
0x88: {  	s2 =	sld [smem:$0x3FD9]  }
0x89: {  	s3 =	sld [smem:$0x3FFE];
	_ =	sdelay $0x1  }
0x8a: {  	s1 =	srdreg.scid  }
0x8b: {  	s0 =	sand.u32 $0x1, s1  }
0x8c: {  	s17 =	sshll.u32 s0, $0xA;
	s2 =	sadd.s32 s3, s2  }
0x8d: {  	s2 =	sadd.s32 s2, s17  }
0x8e: {  	[smem:$0x3FC0] =	sst s2  }
0x8f: {  	_ = 	snop  }
0x90: {  	s2 =	sld [smem:$0x3FC9];
	(tm) =	ssettm $0x1  }
0x91: {  	s18 =	sld [smem:$0x3FFB];
	_ =	sdelay $0x3  }
0x92: {  	_ =	strace s18  }
0x93: {  	s3 =	sld [smem:$0x3FFC];
	_ =	sdelay $0x3  }
0x94: {  	_ =	strace s3  }
0x95: {  	s3 =	sld [smem:$0x3FFD];
	_ =	sdelay $0x3  }
0x96: {  	_ =	strace s3  }
0x97: {  	_ =	strace $0x8FFFFFFF  }
0x98: {  	s19 =	sld [smem:$0x3FDB];
	_ =	sdelay $0x1  }
0x99: {  	s4 =	simm.s32 $_scs_section_size  }
0x9a: {  	s5 =	simm.s32 $_size__tile_overlayer_lowered;
	s6 =	simm.s32 $_tile_overlayer_lowered  }
0x9b: {  	s22 =	simm.s32 $0x1BFF;
	s21 =	sshll.u32 s6, $0x1;
	s3 =	sadd.s32 s4, s19  }
0x9c: {  	s7 =	simm.s32 $0x0;
	s20 =	sshll.u32 s5, $0x1;
	s5 =	sadd.s32 s21, s3  }
0x9d: {  	[timem:s7], [sflag:s22] =	dma.local [hbm:s5], s20  }
0x9e: {  	_ =	swait.ge [sflag:s22], s20  }
0x9f: {  	s4 =	ssub.s32 $0x0, s20;
	[sflag:s22] =	ssyncset.done $0x0  }
0xa0: {  	[sflag:s22] =	ssyncadd.s32 s4;
	_ =	sdelay $0x1  }
0xa1: {  	s23 =	simm.s32 $0x1B8B  }
0xa2: {  	_ =	swait.ge [sflag:s23], $0x1  }
0xa3: {  	[sflag:s23] =	ssyncset.done $0x0  }
0xa4: {  	s25 =	simm.s32 $0x1B8E;
	s24 =	sld [smem:$0x3FFE];
	[sflag:s23] =	ssyncadd.s32 $0xFFFFFFFF  }
0xa5: {  	s26 =	simm.s32 $execute0_lowered;
	[smem:$0x3FD2] =	sst s25  }
0xa6: {  	s5 =	sshll.u32 s26, $0x1;
	_ =	strace $0x80000049;
	[dreg:$0x1] =	wrdreg $0xFFFFFFFF  }
0xa7: {  	s28 =	simm.s32 $_size_execute0_lowered;
	s3 =	sadd.s32 s3, s5;
	[dreg:$0x0] =	wrdreg $0x0  }
0xa8: {  	s5 =	sshll.u32 s28, $0x1;
	[dreg:$0x2] =	wrdreg s3  }
0xa9: {  	[dreg:$0x3] =	wrdreg s5  }
0xaa: {  	[dreg:$0x4] =	wrdreg $0xC0  }
0xab: {  	_ =	task [dreg:s7], $0x5FFFF  }
0xac: {  	[dreg:$0x1] =	wrdreg $0xFFFFFFFF  }
0xad: {  	[dreg:$0x0] =	wrdreg $0x60  }
0xae: {  	[dreg:$0x2] =	wrdreg s2  }
0xaf: {  	[dreg:$0x3] =	wrdreg s24  }
0xb0: {  	[dreg:$0x4] =	wrdreg $0x88000  }
0xb1: {  	[dreg:$0x5] =	wrdreg $0x9  }
0xb2: {  	_ =	task.clear_ibuf [dreg:s7], $0x6FFFF;
	_ =	strace $0x90000049  }
0xb3: {  	s29 =	simm.s32 $0x9;
	_ =	strace $0x8000004B  }
0xb4: {  	_ =	swait.ge [sflag:s29], $0x1  }
0xb5: {  	[sflag:s29] =	ssyncadd.s32 $0xFFFFFFFF  }
0xb6: {  	_ =	strace $0x9000004B  }
0xb7: {  	_ =	sfence  }
0xb8: {  	s30 =	sld [smem:$0x0];
	_ =	sdelay $0x2  }
0xb9: {  	s31 =	sshll.u32 s1, $0xD;
	s1 =	sshrl.u32 s1, $0x2  }
0xba: {  	s3 =	sand.u32 $0x4000, s31;
	s1 =	sadd.s32 s1, s30  }
0xbb: {  	s0 =	sor.u32 s3, s0;
	s1 =	sshll.u32 s1, $0x11  }
0xbc: {  	s0 =	sor.u32 s1, s0  }
0xbd: {  	s0 =	sadd.s32 $0x8F2B, s0  }
0xbe: {  	[sflag:s0] =	ssyncadd.remote.s32 $0x1  }
0xbf: {  	_ =	sfence.sel $0xFFFF  }
0xc0: {  	[dreg:$0x0] =	wrdreg $0xFFFFFFFF;
	(pc) =	sbr.abs _section_cstart, $3  }
0xc1: {  	[dreg:$0x1] =	wrdreg $0xFFFFFFFF  }
0xc2: {  	_ =	task.clear_ibuf [dreg:s7], $0x2FFFF;
	_ =	strace $0x9FFFFFFF  }
0xc3: {  	(tm) =	ssettm $0x7FFFFFFF  }
tec
execute0_lowered:
.L_overlay_start_1:
0x0: {  	(tag) =	ssettag $0x1  }
0x1: {  	s2 =	rddreg [dreg:$0x0]  }
0x2: {  	s0 =	rddreg [dreg:$0x1]  }
0x3: {  	s3 =	rddreg [dreg:$0x2]  }
0x4: {  	s11 =	stileid.u32;
	s1 =	srdreg.scid;
	s12 =	simm.s32 $0x0  }
0x5: {  	s14 =	simm.s32 $0xB;
	s15 =	simm.s32 $0x800;
	s16 =	simm.s32 $0x28  }
0x6: {  	s17 =	simm.s32 $0x2400;
	s18 =	simm.s32 $0x3800;
	s20 =	simm.s32 $0x4C00  }
0x7: {  	s22 =	simm.s32 $0x6000;
	s23 =	simm.s32 $0x1;
	s29 =	simm.s32 $0x6  }
0x8: {  	s31 =	simm.s32 $0x3;
	s21 =	simm.s32 $0x9;
	s24 =	simm.s32 $0xA  }
0x9: {  	s4 =	smul.u32 $0x14000, s11;
	s1 =	sand.u32 $0x1, s1;
	[smem:$0x7FF] =	sst s12  }
0xa: {  	s5 =	sadd.s32 $0xBA00, s0;
	s6 =	sadd.s32 $0x1F800, s0;
	s8 =	smul.u32 $0x50000, s11  }
0xb: {  	s10 =	sshll.u32 s11, $0x1;
	s28 =	sshll.u32 s11, $0x6;
	s11 =	simm.s32 $0x4  }
0xc: {  	s7 =	smul.u32 $0x140000, s1;
	_ =	strace $0x8000004A;
	s25 =	ssub.s32 $0x2, s1  }
0xd: {  	s1 =	sor.u32 s1, s10;
	s13 =	sor.u32 $0x1C0B, s28;
	s9 =	sshrl.u32 s25, $0x1  }
0xe: {  	s8 =	sshrl.u32 s8, $0x2;
	s10 =	smul.u32 $0x8C00, s1;
	[dreg:$0x6] =	wrdreg s13  }
0xf: {  	s7 =	sadd.s32 s4, s7;
	s4 =	sshrl.u32 s4, $0x3;
	s26 =	sadd.s32 s8, s3  }
0x10: {  	s8 =	smul.u32 $0x2710, s1;
	s7 =	sshrl.u32 s7, $0x3;
	s4 =	sadd.s32 s4, s0  }
0x11: {  	s1 =	simm.s32 $0x7;
	s0 =	sadd.s32 s7, s0;
	s4 =	sadd.s32 $0x42800, s4  }
0x12: {  	s7 =	ssub.s32 s25, s9;
	[dreg:$0x5] =	wrdreg s4;
	s0 =	sadd.s32 $0x6A800, s0  }
0x13: {  	s25 =	simm.s32 $0x7400;
	s30 =	smax.u32 s7, $0x1;
	[dreg:$0x7] =	wrdreg s0  }
0x14: {  	s9 =	simm.s32 $0x8;
	s7 =	sshrl.u32 s26, $0x3;
	[dreg:$0x8] =	wrdreg s30  }
0x15: {  	s26 =	simm.s32 $0x2;
	s4 =	simm.s32 $0x5;
	[dreg:$0x9] =	wrdreg s7  }
.LBB2_1:
0x16: {  	[dreg:$0x4] =	wrdreg s12  }
0x17: {  	s0 =	rddreg [dreg:$0x5]  }
0x18: {  	[spmem:s7], [sflag:s13] =	dma.local [hbm:s0], $0x2800  }
0x19: {  	_ =	swait.ge [sflag:s14], $0x2800  }
0x1a: {  	[sflag:s14] =	ssyncset.done $0x0  }
0x1b: {  	[sflag:s14] =	ssyncadd.s32 $0xFFFFD800  }
0x1c: {  	s7 =	simm.s32 $0x0;
	[bflag:$0x0] =	sbarrier.arrive $0xFFFF  }
.LBB2_2:
0x1d: {  	s12 =	smul.u32 $0x7D0, s7;
	_ =	sdelay $0x1  }
0x1e: {  	s12 =	sadd.s32 s8, s12  }
0x1f: {  	s12 =	sshrl.u32 s12, $0x3  }
0x20: {  	s13 =	simm.s32 $0x0;
	s19 =	smul.u32 $0x1C00, s7;
	s12 =	sadd.s32 s5, s12  }
0x21: {  	[tilespmem:s13], [sflag:$0xB] =	stream.linear.gather [hbm4b:s12+s13], $0x7D0, $0x38;
	[tilespmem:$0x1C800] =	vst v63  }
0x22: {  	s0 =	sadd.s32 s10, s19;
	_ =	swait.ge [sflag:s14], $0x7D0  }
0x23: {  	s12 =	sshrl.u32 s0, $0x3;
	[sflag:s14] =	ssyncset.done $0x0  }
0x24: {  	s12 =	sadd.s32 s6, s12;
	[sflag:s14] =	ssyncadd.s32 $0xFFFFF830  }
0x25: {  	[tilespmem:s15], [sflag:$0xB] =	stream.linear.gather [hbm4b:s12+s13], $0x1900, $0x38;
	[tilespmem:$0x1C800] =	vst v63  }
0x26: {  	_ =	swait.ge [sflag:s14], $0x1900  }
0x27: {  	[sflag:s14] =	ssyncset.done $0x0  }
0x28: {  	[sflag:s14] =	ssyncadd.s32 $0xFFFFE700  }
0x29: {  	[tilespmem:s17], [sflag:$0x1] =	stream.indirect.gather [hbm4b:s2+s16], $0x80, s13, s16, $0xb8;
	[tilespmem:$0x1C800] =	vst v63  }
0x2a: {  	_ = 	snop  }
0x2b: {  	[tilespmem:s18], [sflag:$0x2] =	stream.indirect.gather [hbm4b:s2+s16], $0x80, s16, s16, $0xb8;
	[tilespmem:$0x1C800] =	vst v63  }
0x2c: {  	s0 =	simm.s32 $0x50  }
0x2d: {  	[tilespmem:s20], [sflag:$0x3] =	stream.indirect.gather [hbm4b:s2+s16], $0x80, s0, s16, $0xb8;
	[tilespmem:$0x1C800] =	vst v63  }
0x2e: {  	s19 =	simm.s32 $0x78  }
0x2f: {  	[tilespmem:s22], [sflag:$0x4] =	stream.indirect.gather [hbm4b:s2+s16], $0x80, s19, s16, $0xb8;
	[tilespmem:$0x1C800] =	vst v63  }
0x30: {  	_ =	swait.ge [sflag:s23], $0x1400  }
0x31: {  	[sflag:s23] =	ssyncset.done $0x0  }
0x32: {  	[sflag:s23] =	ssyncadd.s32 $0xFFFFEC00  }
0x33: {  	[spmem:s3] =	stream.indirect.scatter.add.f32 [tilespmem:s17], [sflag:$0x6], $0x80, s15, s16, $0xb8;
	[tilespmem:$0x1C800] =	vst v63  }
0x34: {  	s30 =	simm.s32 $0xA0  }
0x35: {  	[tilespmem:s25], [sflag:$0x5] =	stream.indirect.gather [hbm4b:s2+s16], $0x80, s30, s16, $0xb8;
	[tilespmem:$0x1C800] =	vst v63  }
0x36: {  	_ =	swait.ge [sflag:s26], $0x1400  }
0x37: {  	[sflag:s26] =	ssyncset.done $0x0  }
0x38: {  	s12 =	simm.s32 $0x880;
	[sflag:s26] =	ssyncadd.s32 $0xFFFFEC00  }
0x39: {  	[spmem:s3] =	stream.indirect.scatter.add.f32 [tilespmem:s18], [sflag:$0x7], $0x80, s12, s16, $0xb8;
	[tilespmem:$0x1C800] =	vst v63  }
0x3a: {  	_ =	swait.ge [sflag:s29], $0x1400  }
0x3b: {  	[sflag:s29] =	ssyncset.done $0x0  }
0x3c: {  	s13 =	simm.s32 $0xC8;
	[sflag:s29] =	ssyncadd.s32 $0xFFFFEC00  }
0x3d: {  	[tilespmem:s17], [sflag:$0x1] =	stream.indirect.gather [hbm4b:s2+s16], $0x80, s13, s16, $0xb8;
	[tilespmem:$0x1C800] =	vst v63  }
0x3e: {  	_ =	swait.ge [sflag:s31], $0x1400  }
0x3f: {  	[sflag:s31] =	ssyncset.done $0x0  }
0x40: {  	s19 =	simm.s32 $0x900;
	[sflag:s31] =	ssyncadd.s32 $0xFFFFEC00  }
0x41: {  	[spmem:s3] =	stream.indirect.scatter.add.f32 [tilespmem:s20], [sflag:$0x8], $0x80, s19, s16, $0xb8;
	[tilespmem:$0x1C800] =	vst v63  }
0x42: {  	_ =	swait.ge [sflag:s1], $0x1400  }
0x43: {  	[sflag:s1] =	ssyncset.done $0x0  }
0x44: {  	s30 =	simm.s32 $0xF0;
	[sflag:s1] =	ssyncadd.s32 $0xFFFFEC00  }
0x45: {  	[tilespmem:s18], [sflag:$0x2] =	stream.indirect.gather [hbm4b:s2+s16], $0x80, s30, s16, $0xb8;
	[tilespmem:$0x1C800] =	vst v63  }
0x46: {  	_ =	swait.ge [sflag:s11], $0x1400  }
0x47: {  	[sflag:s11] =	ssyncset.done $0x0  }
0x48: {  	s12 =	simm.s32 $0x980;
	[sflag:s11] =	ssyncadd.s32 $0xFFFFEC00  }
0x49: {  	[spmem:s3] =	stream.indirect.scatter.add.f32 [tilespmem:s22], [sflag:$0x9], $0x80, s12, s16, $0xb8;
	[tilespmem:$0x1C800] =	vst v63  }
0x4a: {  	_ =	swait.ge [sflag:s9], $0x1400  }
0x4b: {  	[sflag:s9] =	ssyncset.done $0x0  }
0x4c: {  	s13 =	simm.s32 $0x118;
	[sflag:s9] =	ssyncadd.s32 $0xFFFFEC00  }
0x4d: {  	[tilespmem:s20], [sflag:$0x3] =	stream.indirect.gather [hbm4b:s2+s16], $0x80, s13, s16, $0xb8;
	[tilespmem:$0x1C800] =	vst v63  }
0x4e: {  	_ =	swait.ge [sflag:s4], $0x1400  }
0x4f: {  	[sflag:s4] =	ssyncset.done $0x0  }
0x50: {  	s19 =	simm.s32 $0xA00;
	[sflag:s4] =	ssyncadd.s32 $0xFFFFEC00  }
0x51: {  	[spmem:s3] =	stream.indirect.scatter.add.f32 [tilespmem:s25], [sflag:$0xA], $0x80, s19, s16, $0xb8;
	[tilespmem:$0x1C800] =	vst v63  }
0x52: {  	_ =	swait.ge [sflag:s21], $0x1400  }
0x53: {  	[sflag:s21] =	ssyncset.done $0x0  }
0x54: {  	s30 =	simm.s32 $0x140;
	[sflag:s21] =	ssyncadd.s32 $0xFFFFEC00  }
0x55: {  	[tilespmem:s22], [sflag:$0x4] =	stream.indirect.gather [hbm4b:s2+s16], $0x80, s30, s16, $0xb8;
	[tilespmem:$0x1C800] =	vst v63  }
0x56: {  	_ =	swait.ge [sflag:s23], $0x1400  }
0x57: {  	[sflag:s23] =	ssyncset.done $0x0  }
0x58: {  	s0 =	simm.s32 $0xA80;
	[sflag:s23] =	ssyncadd.s32 $0xFFFFEC00  }
0x59: {  	[spmem:s3] =	stream.indirect.scatter.add.f32 [tilespmem:s17], [sflag:$0x6], $0x80, s0, s16, $0xb8;
	[tilespmem:$0x1C800] =	vst v63  }
0x5a: {  	_ =	swait.ge [sflag:s24], $0x1400  }
0x5b: {  	[sflag:s24] =	ssyncset.done $0x0  }
0x5c: {  	s13 =	simm.s32 $0x168;
	[sflag:s24] =	ssyncadd.s32 $0xFFFFEC00  }
0x5d: {  	[tilespmem:s25], [sflag:$0x5] =	stream.indirect.gather [hbm4b:s2+s16], $0x80, s13, s16, $0xb8;
	[tilespmem:$0x1C800] =	vst v63  }
0x5e: {  	_ =	swait.ge [sflag:s26], $0x1400  }
0x5f: {  	[sflag:s26] =	ssyncset.done $0x0  }
0x60: {  	s19 =	simm.s32 $0xB00;
	[sflag:s26] =	ssyncadd.s32 $0xFFFFEC00  }
0x61: {  	[spmem:s3] =	stream.indirect.scatter.add.f32 [tilespmem:s18], [sflag:$0x7], $0x80, s19, s16, $0xb8;
	[tilespmem:$0x1C800] =	vst v63  }
0x62: {  	_ =	swait.ge [sflag:s29], $0x1400  }
0x63: {  	[sflag:s29] =	ssyncset.done $0x0  }
0x64: {  	s30 =	simm.s32 $0x190;
	[sflag:s29] =	ssyncadd.s32 $0xFFFFEC00  }
0x65: {  	[tilespmem:s17], [sflag:$0x1] =	stream.indirect.gather [hbm4b:s2+s16], $0x80, s30, s16, $0xb8;
	[tilespmem:$0x1C800] =	vst v63  }
0x66: {  	_ =	swait.ge [sflag:s31], $0x1400  }
0x67: {  	[sflag:s31] =	ssyncset.done $0x0  }
0x68: {  	s0 =	simm.s32 $0xB80;
	[sflag:s31] =	ssyncadd.s32 $0xFFFFEC00  }
0x69: {  	[spmem:s3] =	stream.indirect.scatter.add.f32 [tilespmem:s20], [sflag:$0x8], $0x80, s0, s16, $0xb8;
	[tilespmem:$0x1C800] =	vst v63  }
0x6a: {  	_ =	swait.ge [sflag:s1], $0x1400  }
0x6b: {  	[sflag:s1] =	ssyncset.done $0x0  }
0x6c: {  	s13 =	simm.s32 $0x1B8;
	[sflag:s1] =	ssyncadd.s32 $0xFFFFEC00  }
0x6d: {  	[tilespmem:s18], [sflag:$0x2] =	stream.indirect.gather [hbm4b:s2+s16], $0x80, s13, s16, $0xb8;
	[tilespmem:$0x1C800] =	vst v63  }
0x6e: {  	_ =	swait.ge [sflag:s11], $0x1400  }
0x6f: {  	[sflag:s11] =	ssyncset.done $0x0  }
0x70: {  	s19 =	simm.s32 $0xC00;
	[sflag:s11] =	ssyncadd.s32 $0xFFFFEC00  }
0x71: {  	[spmem:s3] =	stream.indirect.scatter.add.f32 [tilespmem:s22], [sflag:$0x9], $0x80, s19, s16, $0xb8;
	[tilespmem:$0x1C800] =	vst v63  }
0x72: {  	_ =	swait.ge [sflag:s9], $0x1400  }
0x73: {  	[sflag:s9] =	ssyncset.done $0x0  }
0x74: {  	s30 =	simm.s32 $0x1E0;
	[sflag:s9] =	ssyncadd.s32 $0xFFFFEC00  }
0x75: {  	[tilespmem:s20], [sflag:$0x3] =	stream.indirect.gather [hbm4b:s2+s16], $0x80, s30, s16, $0xb8;
	[tilespmem:$0x1C800] =	vst v63  }
0x76: {  	_ =	swait.ge [sflag:s4], $0x1400  }
0x77: {  	s28 =	simm.s32 $0xC80;
	[sflag:s4] =	ssyncset.done $0x0  }
0x78: {  	s12 =	simm.s32 $0xF00;
	s13 =	simm.s32 $0x320;
	[sflag:s4] =	ssyncadd.s32 $0xFFFFEC00  }
.LBB2_3:
0x79: {  	s19 =	smov.u32 s12  }
0x7a: {  	[spmem:s3] =	stream.indirect.scatter.add.f32 [tilespmem:s25], [sflag:$0xA], $0x80, s28, s16, $0xb8;
	[tilespmem:$0x1C800] =	vst v63  }
0x7b: {  	s28 =	smov.u32 s13;
	s13 =	sadd.s32 $0x320, s13;
	_ =	swait.ge [sflag:s21], $0x1400  }
0x7c: {  	s30 =	sshra.s32 s28, $0x2;
	p0 =	sne.s32 s13, $0x1900;
	[sflag:s21] =	ssyncset.done $0x0  }
0x7d: {  	s28 =	smov.u32 s12;
	s0 =	sadd.s32 $0x140, s30;
	[sflag:s21] =	ssyncadd.s32 $0xFFFFEC00  }
0x7e: {  	[tilespmem:s22], [sflag:$0x4] =	stream.indirect.gather [hbm4b:s2+s16], $0x80, s0, s16, $0xb8;
	[tilespmem:$0x1C800] =	vst v63  }
0x7f: {  	_ =	swait.ge [sflag:s23], $0x1400  }
0x80: {  	[sflag:s23] =	ssyncset.done $0x0  }
0x81: {  	s0 =	sadd.s32 $0xFFFFFE00, s12;
	[sflag:s23] =	ssyncadd.s32 $0xFFFFEC00  }
0x82: {  	[spmem:s3] =	stream.indirect.scatter.add.f32 [tilespmem:s17], [sflag:$0x6], $0x80, s0, s16, $0xb8;
	[tilespmem:$0x1C800] =	vst v63  }
0x83: {  	_ =	swait.ge [sflag:s24], $0x1400  }
0x84: {  	[sflag:s24] =	ssyncset.done $0x0  }
0x85: {  	s0 =	sadd.s32 $0x168, s30;
	[sflag:s24] =	ssyncadd.s32 $0xFFFFEC00  }
0x86: {  	[tilespmem:s25], [sflag:$0x5] =	stream.indirect.gather [hbm4b:s2+s16], $0x80, s0, s16, $0xb8;
	[tilespmem:$0x1C800] =	vst v63  }
0x87: {  	_ =	swait.ge [sflag:s26], $0x1400  }
0x88: {  	[sflag:s26] =	ssyncset.done $0x0  }
0x89: {  	s0 =	sadd.s32 $0xFFFFFE80, s12;
	[sflag:s26] =	ssyncadd.s32 $0xFFFFEC00  }
0x8a: {  	[spmem:s3] =	stream.indirect.scatter.add.f32 [tilespmem:s18], [sflag:$0x7], $0x80, s0, s16, $0xb8;
	[tilespmem:$0x1C800] =	vst v63  }
0x8b: {  	_ =	swait.ge [sflag:s29], $0x1400  }
0x8c: {  	[sflag:s29] =	ssyncset.done $0x0  }
0x8d: {  	s0 =	sadd.s32 $0x190, s30;
	[sflag:s29] =	ssyncadd.s32 $0xFFFFEC00  }
0x8e: {  	[tilespmem:s17], [sflag:$0x1] =	stream.indirect.gather [hbm4b:s2+s16], $0x80, s0, s16, $0xb8;
	[tilespmem:$0x1C800] =	vst v63  }
0x8f: {  	_ =	swait.ge [sflag:s31], $0x1400  }
0x90: {  	[sflag:s31] =	ssyncset.done $0x0  }
0x91: {  	s0 =	sadd.s32 $0xFFFFFF00, s12;
	[sflag:s31] =	ssyncadd.s32 $0xFFFFEC00  }
0x92: {  	[spmem:s3] =	stream.indirect.scatter.add.f32 [tilespmem:s20], [sflag:$0x8], $0x80, s0, s16, $0xb8;
	[tilespmem:$0x1C800] =	vst v63  }
0x93: {  	_ =	swait.ge [sflag:s1], $0x1400  }
0x94: {  	[sflag:s1] =	ssyncset.done $0x0  }
0x95: {  	s0 =	sadd.s32 $0x1B8, s30;
	[sflag:s1] =	ssyncadd.s32 $0xFFFFEC00  }
0x96: {  	[tilespmem:s18], [sflag:$0x2] =	stream.indirect.gather [hbm4b:s2+s16], $0x80, s0, s16, $0xb8;
	[tilespmem:$0x1C800] =	vst v63  }
0x97: {  	_ =	swait.ge [sflag:s11], $0x1400  }
0x98: {  	[sflag:s11] =	ssyncset.done $0x0  }
0x99: {  	s0 =	sadd.s32 $0xFFFFFF80, s12;
	[sflag:s11] =	ssyncadd.s32 $0xFFFFEC00  }
0x9a: {  	[spmem:s3] =	stream.indirect.scatter.add.f32 [tilespmem:s22], [sflag:$0x9], $0x80, s0, s16, $0xb8;
	[tilespmem:$0x1C800] =	vst v63  }
0x9b: {  	_ =	swait.ge [sflag:s9], $0x1400  }
0x9c: {  	[sflag:s9] =	ssyncset.done $0x0  }
.Ltmp0:
0x9d: {  	s0 =	sadd.s32 $0x1E0, s30;
	[sflag:s9] =	ssyncadd.s32 $0xFFFFEC00;
	(pc) =	sbr.rel @p0 .LBB2_3-.Ltmp0, $4  }
0x9e: {  	[tilespmem:s20], [sflag:$0x3] =	stream.indirect.gather [hbm4b:s2+s16], $0x80, s0, s16, $0xb8;
	[tilespmem:$0x1C800] =	vst v63  }
0x9f: {  	_ =	swait.ge [sflag:s4], $0x1400  }
0xa0: {  	[sflag:s4] =	ssyncset.done $0x0  }
0xa1: {  	s12 =	sadd.s32 $0x280, s12;
	[sflag:s4] =	ssyncadd.s32 $0xFFFFEC00  }
0xa2: {  	[spmem:s3] =	stream.indirect.scatter.add.f32 [tilespmem:s25], [sflag:$0xA], $0x80, s28, s16, $0xb8;
	[tilespmem:$0x1C800] =	vst v63  }
0xa3: {  	_ =	swait.ge [sflag:s21], $0x1400  }
0xa4: {  	s0 =	sshra.s32 s13, $0x2;
	[sflag:s21] =	ssyncset.done $0x0  }
0xa5: {  	s0 =	sadd.s32 $0x140, s0;
	[sflag:s21] =	ssyncadd.s32 $0xFFFFEC00  }
0xa6: {  	[tilespmem:s22], [sflag:$0x4] =	stream.indirect.gather [hbm4b:s2+s16], $0x80, s0, s16, $0xb8;
	[tilespmem:$0x1C800] =	vst v63  }
0xa7: {  	_ =	swait.ge [sflag:s23], $0x1400  }
0xa8: {  	[sflag:s23] =	ssyncset.done $0x0  }
0xa9: {  	s30 =	sadd.s32 $0x80, s19;
	[sflag:s23] =	ssyncadd.s32 $0xFFFFEC00  }
0xaa: {  	[spmem:s3] =	stream.indirect.scatter.add.f32 [tilespmem:s17], [sflag:$0x6], $0x80, s30, s16, $0xb8;
	[tilespmem:$0x1C800] =	vst v63  }
0xab: {  	_ =	swait.ge [sflag:s24], $0x1400  }
0xac: {  	[sflag:s24] =	ssyncset.done $0x0  }
0xad: {  	s12 =	simm.s32 $0x7A8;
	[sflag:s24] =	ssyncadd.s32 $0xFFFFEC00  }
0xae: {  	[tilespmem:s25], [sflag:$0x5] =	stream.indirect.gather [hbm4b:s2+s16], $0x80, s12, s16, $0xb8;
	[tilespmem:$0x1C800] =	vst v63  }
0xaf: {  	_ =	swait.ge [sflag:s26], $0x1400  }
0xb0: {  	[sflag:s26] =	ssyncset.done $0x0  }
0xb1: {  	s13 =	sadd.s32 $0x100, s19;
	[sflag:s26] =	ssyncadd.s32 $0xFFFFEC00  }
0xb2: {  	[spmem:s3] =	stream.indirect.scatter.add.f32 [tilespmem:s18], [sflag:$0x7], $0x80, s13, s16, $0xb8;
	[tilespmem:$0x1C800] =	vst v63  }
0xb3: {  	_ =	swait.ge [sflag:s29], $0x1400  }
0xb4: {  	[sflag:s29] =	ssyncset.done $0x0  }
0xb5: {  	[sflag:s29] =	ssyncadd.s32 $0xFFFFEC00  }
0xb6: {  	_ =	swait.ge [sflag:s31], $0x1400  }
0xb7: {  	[sflag:s31] =	ssyncset.done $0x0  }
0xb8: {  	s19 =	sadd.s32 $0x180, s19;
	[sflag:s31] =	ssyncadd.s32 $0xFFFFEC00  }
0xb9: {  	[spmem:s3] =	stream.indirect.scatter.add.f32 [tilespmem:s20], [sflag:$0x8], $0x80, s19, s16, $0xb8;
	[tilespmem:$0x1C800] =	vst v63  }
0xba: {  	_ =	swait.ge [sflag:s1], $0x1400  }
0xbb: {  	[sflag:s1] =	ssyncset.done $0x0  }
0xbc: {  	[sflag:s1] =	ssyncadd.s32 $0xFFFFEC00  }
0xbd: {  	_ =	swait.ge [sflag:s11], $0x1400  }
0xbe: {  	[sflag:s11] =	ssyncset.done $0x0  }
0xbf: {  	s28 =	simm.s32 $0x2000;
	[sflag:s11] =	ssyncadd.s32 $0xFFFFEC00  }
0xc0: {  	[spmem:s3] =	stream.indirect.scatter.add.f32 [tilespmem:s22], [sflag:$0x9], $0x80, s28, s16, $0xb8;
	[tilespmem:$0x1C800] =	vst v63  }
0xc1: {  	_ =	swait.ge [sflag:s9], $0x1400  }
0xc2: {  	[sflag:s9] =	ssyncset.done $0x0  }
0xc3: {  	[sflag:s9] =	ssyncadd.s32 $0xFFFFEC00  }
0xc4: {  	_ =	swait.ge [sflag:s4], $0x1400  }
0xc5: {  	[sflag:s4] =	ssyncset.done $0x0  }
0xc6: {  	s7 =	sadd.s32 $0x1, s7;
	s30 =	simm.s32 $0x2080;
	[sflag:s4] =	ssyncadd.s32 $0xFFFFEC00  }
0xc7: {  	[spmem:s3] =	stream.indirect.scatter.add.f32 [tilespmem:s25], [sflag:$0xA], $0x80, s30, s16, $0xb8;
	[tilespmem:$0x1C800] =	vst v63  }
0xc8: {  	p0 =	sne.s32 s7, $0x5;
	_ =	swait.ge [sflag:s21], $0x1400  }
.Ltmp1:
0xc9: {  	[sflag:s21] =	ssyncset.done $0x0;
	(pc) =	sbr.rel @p0 .LBB2_2-.Ltmp1, $4  }
0xca: {  	[sflag:s21] =	ssyncadd.s32 $0xFFFFEC00  }
0xcb: {  	_ =	swait.ge [sflag:s24], $0x1400  }
0xcc: {  	[sflag:s24] =	ssyncset.done $0x0  }
0xcd: {  	[sflag:s24] =	ssyncadd.s32 $0xFFFFEC00  }
0xce: {  	[bflag:$0x0] =	sbarrier.arrive $0xFFFF  }
0xcf: {  	s13 =	rddreg [dreg:$0x6]  }
0xd0: {  	s0 =	rddreg [dreg:$0x7]  }
0xd1: {  	s7 =	rddreg [dreg:$0x9]  }
0xd2: {  	[hbm:s0], [sflag:s13] =	dma.local [spmem:s7], $0x2800  }
0xd3: {  	_ =	swait.ge [sflag:s14], $0x2800  }
0xd4: {  	s12 =	rddreg [dreg:$0x4]  }
0xd5: {  	s30 =	rddreg [dreg:$0x8];
	s12 =	sadd.s32 $0x1, s12  }
0xd6: {  	p0 =	sne.s32 s12, s30  }
.Ltmp2:
0xd7: {  	_ = 	snop;
	(pc) =	sbr.rel @p0 .LBB2_1-.Ltmp2, $3  }
0xd8: {  	_ =	sdelay $0x1  }
0xd9: {  	[sflag:s14] =	ssyncset.done $0x0  }
0xda: {  	[sflag:s14] =	ssyncadd.s32 $0xFFFFD800  }
0xdb: {  	_ =	sfence.sel $0x180000  }
0xdc: {  	[bflag:$0x0] =	sbarrier.arrive $0xFFFF  }
0xdd: {  	_ =	strace $0x9000004A  }
0xde: {  	s0 =	stileid.u32;
	[bflag:$0x2] =	sbarrier.arrive $0xFFFF  }
0xdf: {  	p0 =	sne.s32 s0, $0x0;
	s0 =	rddreg [dreg:$0x3]  }
0xe0: {  	s0 =	sadd.s32 @!p0 $0x100000, s0  }
0xe1: {  	[sflag:s0] =	ssyncadd.tile.s32 @!p0 $0x1;
	_ =	shalt  }
.Lfunc_end2:
_tile_overlayer_lowered:
.L_overlay_start_2:
0xe2: {  	(tag) =	ssettag $0x2  }
0xe3: {  	s0 =	rddreg [dreg:$0x0];
	s2 =	stileid.u32  }
0xe4: {  	s1 =	rddreg [dreg:$0x1];
	p0 =	sne.s32 s2, $0x0  }
0xe5: {  	s3 =	rddreg [dreg:$0x2];
	[bflag:$0x3] =	sbarrier.arrive $0xFFFF;
	s2 =	simm.s32 @!p0 $0x1C0B  }
0xe6: {  	[timem:s3], [sflag:s2] =	dma.local @!p0 [hbm:s0], s1  }
0xe7: {  	s0 =	simm.s32 @!p0 $0xB  }
0xe8: {  	_ =	swait.ge @!p0 [sflag:s0], s1  }
0xe9: {  	s1 =	ssub.s32 @!p0 $0x0, s1;
	[sflag:s0] =	ssyncset.done @!p0 $0x0  }
0xea: {  	[sflag:s0] =	ssyncadd.s32 @!p0 s1  }
0xeb: {  	[bflag:$0x3] =	sbarrier.arrive $0xFFFF  }
0xec: {  	_ =	shalt  }

// kernel: kernel.13.cloned.1.call-start
scs
__scs_entry_jumppad:
0x0: {  	(pc) =	sbr.rel $0x88, $3  }
0x1: {  	(tag) =	ssettag $0x0;
	lr =	simm.s32 $0x1  }
0x2: {  	[smem:$0x3F99] =	sst lr;
	_ =	strace $0xD0000000  }
0x3: {  	_ = 	snop  }
0x4: {  	_ = 	snop  }
0x5: {  	_ = 	snop  }
0x6: {  	_ = 	snop  }
0x7: {  	_ = 	snop  }
__scs_overlays_trampoline_lowered:
0x8: {  	[smem:$0x3FA8] =	sst s0  }
0x9: {  	[smem:$0x3FA9] =	sst s1  }
0xa: {  	[smem:$0x3FAA] =	sst s2  }
0xb: {  	[smem:$0x3FAB] =	sst s3  }
0xc: {  	[smem:$0x3FAC] =	sst s4  }
0xd: {  	[smem:$0x3FAD] =	sst s5  }
0xe: {  	[smem:$0x3FAE] =	sst s6  }
0xf: {  	[smem:$0x3FAF] =	sst s7  }
0x10: {  	[smem:$0x3FB0] =	sst s8  }
0x11: {  	[smem:$0x3FB1] =	sst s9;
	s0 =	simm.s32 @!p0 $0x0  }
0x12: {  	s1 =	sld [smem:$0x3F97];
	s0 =	simm.s32 @p0 $0x1  }
0x13: {  	[smem:$0x3FB2] =	sst s0;
	s0 =	simm.s32 @!p1 $0x0  }
0x14: {  	s2 =	sld [smem:$0x3F96];
	s0 =	simm.s32 @p1 $0x1  }
0x15: {  	[smem:$0x3FB3] =	sst s0;
	s0 =	simm.s32 @!p2 $0x0  }
0x16: {  	s3 =	sld [smem:$0x3FDB];
	s0 =	simm.s32 @p2 $0x1  }
0x17: {  	s4 =	simm.s32 $0x1BF5;
	[smem:$0x3FB5] =	sst s0  }
0x18: {  	s0 =	sld [smem:$0x3F98];
	_ =	swait.ge [sflag:s4], $0x0  }
0x19: {  	s7 =	sld [smem:$0x3F99]  }
0x1a: {  	s8 =	sadd.s32 $0xFFFFE003, lr  }
0x1b: {  	s9 =	sadd.s32 $0xFFFFFEF7, lr;
	s5 =	simm.s32 $0xFFFFFFFF;
	p2 =	slt.u32 s8, $0xFFFFF086  }
0x1c: {  	p1 =	slt.u32 s9, $0xF7A;
	s5 =	simm.s32 @!p2 $0x0  }
0x1d: {  	s5 =	simm.s32 @p1 $0x1;
	p0 =	seq.s32 s7, s2  }
0x1e: {  	s7 =	smul.u32 @!p0 $0xF7A, s2;
	p2 =	seq.s32 @!p0 s5, $0x0  }
0x1f: {  	s9 =	smul.u32 $0xF7A, s1;
	s8 =	simm.s32 @!p0 $0x1BF5;
	p2 =	por !p2, p0  }
0x20: {  	[sflag:s8] =	ssyncset.s32 @!p0 $0xFFFFF086;
	s6 =	sadd.s32 @!p0 s3, s7;
	s7 =	simm.s32 @!p0 $0x108  }
0x21: {  	s3 =	sadd.s32 s3, s9;
	s6 =	sadd.s32 @!p0 $0x88, s6;
	s7 =	simm.s32 @p2 $0x1082  }
0x22: {  	[simem:s7], [sflag:s8] =	dma.local @!p0 [hbm:s6], $0xF7A  }
0x23: {  	s9 =	sor.u32 $0xD0000000, s2;
	s6 =	simm.s32 $0x108;
	_ =	swait.ge @!p0 [sflag:s8], $0x0  }
0x24: {  	s3 =	sadd.s32 $0x88, s3;
	s6 =	simm.s32 @!p1 $0x1082;
	[sflag:s4] =	ssyncset.s32 $0xFFFFF086  }
0x25: {  	[simem:s6], [sflag:s4] =	dma.local [hbm:s3], $0xF7A  }
0x26: {  	[smem:$0x3F99] =	sst s1;
	(tag) =	ssettag s2;
	_ =	strace s9  }
0x27: {  	s1 =	sld [smem:$0x3FA9]  }
0x28: {  	s2 =	sld [smem:$0x3FAA]  }
0x29: {  	s4 =	sld [smem:$0x3FAC]  }
0x2a: {  	p0 =	seq.s32 s5, $0x0;
	s5 =	sld [smem:$0x3FAD]  }
0x2b: {  	s6 =	sld [smem:$0x3FAE]  }
0x2c: {  	s7 =	sld [smem:$0x3FAF]  }
0x2d: {  	s3 =	simm.s32 $0x108;
	s8 =	sld [smem:$0x3FB0]  }
0x2e: {  	s3 =	simm.s32 @!p0 $0x1082;
	s9 =	sld [smem:$0x3FB1]  }
0x2f: {  	lr =	sadd.s32 s0, s3;
	s0 =	sld [smem:$0x3FA8]  }
0x30: {  	s3 =	sld [smem:$0x3FAB]  }
0x31: {  	[smem:$0x3FB4] =	sst s10  }
0x32: {  	s10 =	sld [smem:$0x3FB2];
	_ =	sdelay $0x3  }
0x33: {  	p0 =	seq.s32 s10, $0x1;
	s10 =	sld [smem:$0x3FB4];
	_ =	sdelay $0x3  }
0x34: {  	[smem:$0x3FB4] =	sst s10  }
0x35: {  	s10 =	sld [smem:$0x3FB3];
	_ =	sdelay $0x3  }
0x36: {  	p1 =	seq.s32 s10, $0x1;
	s10 =	sld [smem:$0x3FB4];
	_ =	sdelay $0x3  }
0x37: {  	[smem:$0x3FB4] =	sst s10  }
0x38: {  	s10 =	sld [smem:$0x3FB5]  }
0x39: {  	_ = 	snop;
	(pc) =	sbr.ind lr, $3  }
0x3a: {  	_ = 	snop  }
0x3b: {  	_ = 	snop  }
0x3c: {  	p2 =	seq.s32 s10, $0x1;
	s10 =	sld [smem:$0x3FB4]  }
0x3d: {  	_ =	shalt  }
0x3e: {  	_ =	shalt  }
0x3f: {  	_ =	shalt  }
0x40: {  	_ =	shalt  }
0x41: {  	_ =	shalt  }
0x42: {  	_ =	shalt  }
0x43: {  	_ =	shalt  }
0x44: {  	_ =	shalt  }
0x45: {  	_ =	shalt  }
0x46: {  	_ =	shalt  }
0x47: {  	_ =	shalt  }
0x48: {  	_ =	shalt  }
0x49: {  	_ =	shalt  }
0x4a: {  	_ =	shalt  }
0x4b: {  	_ =	shalt  }
0x4c: {  	_ =	shalt  }
0x4d: {  	_ =	shalt  }
0x4e: {  	_ =	shalt  }
0x4f: {  	_ =	shalt  }
0x50: {  	_ =	shalt  }
0x51: {  	_ =	shalt  }
0x52: {  	_ =	shalt  }
0x53: {  	_ =	shalt  }
0x54: {  	_ =	shalt  }
0x55: {  	_ =	shalt  }
0x56: {  	_ =	shalt  }
0x57: {  	_ =	shalt  }
0x58: {  	_ =	shalt  }
0x59: {  	_ =	shalt  }
0x5a: {  	_ =	shalt  }
0x5b: {  	_ =	shalt  }
0x5c: {  	_ =	shalt  }
0x5d: {  	_ =	shalt  }
0x5e: {  	_ =	shalt  }
0x5f: {  	_ =	shalt  }
0x60: {  	_ =	shalt  }
0x61: {  	_ =	shalt  }
0x62: {  	_ =	shalt  }
0x63: {  	_ =	shalt  }
0x64: {  	_ =	shalt  }
0x65: {  	_ =	shalt  }
0x66: {  	_ =	shalt  }
0x67: {  	_ =	shalt  }
0x68: {  	_ =	shalt  }
0x69: {  	_ =	shalt  }
0x6a: {  	_ =	shalt  }
0x6b: {  	_ =	shalt  }
0x6c: {  	_ =	shalt  }
0x6d: {  	_ =	shalt  }
0x6e: {  	_ =	shalt  }
0x6f: {  	_ =	shalt  }
0x70: {  	_ =	shalt  }
0x71: {  	_ =	shalt  }
0x72: {  	_ =	shalt  }
0x73: {  	_ =	shalt  }
0x74: {  	_ =	shalt  }
0x75: {  	_ =	shalt  }
0x76: {  	_ =	shalt  }
0x77: {  	_ =	shalt  }
0x78: {  	_ =	shalt  }
0x79: {  	_ =	shalt  }
0x7a: {  	_ =	shalt  }
0x7b: {  	_ =	shalt  }
0x7c: {  	_ =	shalt  }
0x7d: {  	_ =	shalt  }
0x7e: {  	_ =	shalt  }
0x7f: {  	_ =	shalt  }
0x80: {  	_ =	shalt  }
0x81: {  	_ =	shalt  }
0x82: {  	_ =	shalt  }
0x83: {  	_ =	shalt  }
0x84: {  	_ =	shalt  }
0x85: {  	_ =	shalt  }
0x86: {  	_ =	shalt  }
0x87: {  	_ =	shalt  }
.Lfunc_end0:
.L_simem_size_0:
called_computation.2_lowered:
.L_overlay_start_0:
0x88: {  	s2 =	sld [smem:$0x3FD9]  }
0x89: {  	s3 =	sld [smem:$0x3FFE];
	_ =	sdelay $0x1  }
0x8a: {  	s1 =	srdreg.scid  }
0x8b: {  	s0 =	sand.u32 $0x1, s1  }
0x8c: {  	s16 =	sshll.u32 s0, $0xA;
	s2 =	sadd.s32 s3, s2  }
0x8d: {  	s2 =	sadd.s32 s2, s16  }
0x8e: {  	[smem:$0x3FC0] =	sst s2  }
0x8f: {  	_ = 	snop  }
0x90: {  	(tm) =	ssettm $0x1  }
0x91: {  	s17 =	sld [smem:$0x3FFB];
	_ =	sdelay $0x3  }
0x92: {  	_ =	strace s17  }
0x93: {  	s2 =	sld [smem:$0x3FFC];
	_ =	sdelay $0x3  }
0x94: {  	_ =	strace s2  }
0x95: {  	s2 =	sld [smem:$0x3FFD];
	_ =	sdelay $0x3  }
0x96: {  	_ =	strace s2  }
0x97: {  	_ =	strace $0x8FFFFFFF  }
0x98: {  	s18 =	sld [smem:$0x3FDB];
	_ =	sdelay $0x1  }
0x99: {  	s19 =	simm.s32 $_scs_section_size  }
0x9a: {  	s4 =	simm.s32 $_size__tile_overlayer_lowered;
	s5 =	simm.s32 $_tile_overlayer_lowered  }
0x9b: {  	s22 =	simm.s32 $0x1BFF;
	s21 =	sshll.u32 s5, $0x1;
	s2 =	sadd.s32 s19, s18  }
0x9c: {  	s6 =	simm.s32 $0x0;
	s20 =	sshll.u32 s4, $0x1;
	s4 =	sadd.s32 s21, s2  }
0x9d: {  	[timem:s6], [sflag:s22] =	dma.local [hbm:s4], s20  }
0x9e: {  	_ =	swait.ge [sflag:s22], s20  }
0x9f: {  	s3 =	ssub.s32 $0x0, s20;
	[sflag:s22] =	ssyncset.done $0x0  }
0xa0: {  	[sflag:s22] =	ssyncadd.s32 s3;
	_ =	sdelay $0x1  }
0xa1: {  	s23 =	simm.s32 $0x1B8B  }
0xa2: {  	_ =	swait.ge [sflag:s23], $0x1  }
0xa3: {  	[sflag:s23] =	ssyncset.done $0x0  }
0xa4: {  	s25 =	simm.s32 $0x1B8E;
	s24 =	sld [smem:$0x3FFE];
	[sflag:s23] =	ssyncadd.s32 $0xFFFFFFFF  }
0xa5: {  	s26 =	simm.s32 $execute0_lowered;
	[smem:$0x3FD2] =	sst s25  }
0xa6: {  	s4 =	sshll.u32 s26, $0x1;
	_ =	strace $0x8000004C;
	[dreg:$0x1] =	wrdreg $0xFFFFFFFF  }
0xa7: {  	s28 =	simm.s32 $_size_execute0_lowered;
	s2 =	sadd.s32 s2, s4;
	[dreg:$0x0] =	wrdreg $0x0  }
0xa8: {  	s4 =	sshll.u32 s28, $0x1;
	[dreg:$0x2] =	wrdreg s2  }
0xa9: {  	[dreg:$0x3] =	wrdreg s4  }
0xaa: {  	[dreg:$0x4] =	wrdreg $0xC0  }
0xab: {  	_ =	task [dreg:s6], $0x5FFFF  }
0xac: {  	[dreg:$0x1] =	wrdreg $0xFFFFFFFF  }
0xad: {  	[dreg:$0x0] =	wrdreg $0x60  }
0xae: {  	[dreg:$0x2] =	wrdreg s24  }
0xaf: {  	[dreg:$0x3] =	wrdreg $0x88000  }
0xb0: {  	[dreg:$0x4] =	wrdreg $0x9  }
0xb1: {  	_ =	task.clear_ibuf [dreg:s6], $0x5FFFF;
	_ =	strace $0x9000004C  }
0xb2: {  	s29 =	simm.s32 $0x9;
	_ =	strace $0x8000004E  }
0xb3: {  	_ =	swait.ge [sflag:s29], $0x1  }
0xb4: {  	[sflag:s29] =	ssyncadd.s32 $0xFFFFFFFF  }
0xb5: {  	_ =	strace $0x9000004E  }
0xb6: {  	_ =	sfence  }
0xb7: {  	s30 =	sld [smem:$0x0];
	_ =	sdelay $0x2  }
0xb8: {  	s31 =	sshll.u32 s1, $0xD;
	s1 =	sshrl.u32 s1, $0x2  }
0xb9: {  	s3 =	sand.u32 $0x4000, s31;
	s1 =	sadd.s32 s1, s30  }
0xba: {  	s0 =	sor.u32 s3, s0;
	s1 =	sshll.u32 s1, $0x11  }
0xbb: {  	s0 =	sor.u32 s1, s0  }
0xbc: {  	s0 =	sadd.s32 $0x8F2B, s0  }
0xbd: {  	[sflag:s0] =	ssyncadd.remote.s32 $0x1  }
0xbe: {  	_ =	sfence.sel $0xFFFF  }
0xbf: {  	[dreg:$0x0] =	wrdreg $0xFFFFFFFF;
	(pc) =	sbr.abs _section_cstart, $3  }
0xc0: {  	[dreg:$0x1] =	wrdreg $0xFFFFFFFF  }
0xc1: {  	_ =	task.clear_ibuf [dreg:s6], $0x2FFFF;
	_ =	strace $0x9FFFFFFF  }
0xc2: {  	(tm) =	ssettm $0x7FFFFFFF  }
0xc3: {  	_ =	shalt  }
tec
execute0_lowered:
.L_overlay_start_1:
0x0: {  	(tag) =	ssettag $0x1  }
0x1: {  	s0 =	rddreg [dreg:$0x0]  }
0x2: {  	s2 =	rddreg [dreg:$0x1];
	s11 =	stileid.u32  }
0x3: {  	s1 =	srdreg.scid;
	s12 =	simm.s32 $0x0;
	s14 =	simm.s32 $0xB  }
0x4: {  	s15 =	simm.s32 $0x800;
	s16 =	simm.s32 $0x28;
	s17 =	simm.s32 $0x2400  }
0x5: {  	s18 =	simm.s32 $0x3800;
	s20 =	simm.s32 $0x4C00;
	s22 =	simm.s32 $0x6000  }
0x6: {  	s23 =	simm.s32 $0x1;
	s29 =	simm.s32 $0x6;
	s31 =	simm.s32 $0x3  }
0x7: {  	s21 =	simm.s32 $0x9;
	s24 =	simm.s32 $0xA;
	s3 =	smul.u32 $0x14000, s11  }
0x8: {  	s1 =	sand.u32 $0x1, s1;
	[smem:$0x7FF] =	sst s12;
	s4 =	sadd.s32 $0x6A800, s0  }
0x9: {  	s5 =	sadd.s32 $0xBA00, s0;
	s6 =	sadd.s32 $0x1F800, s0;
	s8 =	smul.u32 $0x50000, s11  }
0xa: {  	s10 =	sshll.u32 s11, $0x1;
	s28 =	sshll.u32 s11, $0x6;
	s11 =	simm.s32 $0x4  }
0xb: {  	s7 =	smul.u32 $0x140000, s1;
	_ =	strace $0x8000004D;
	s25 =	ssub.s32 $0x2, s1  }
0xc: {  	s1 =	sor.u32 s1, s10;
	s13 =	sor.u32 $0x1C0B, s28;
	s9 =	sshrl.u32 s25, $0x1  }
0xd: {  	s8 =	sshrl.u32 s8, $0x2;
	s10 =	smul.u32 $0x8C00, s1;
	[dreg:$0x5] =	wrdreg s13  }
0xe: {  	s7 =	sadd.s32 s3, s7;
	s3 =	sshrl.u32 s3, $0x3;
	s26 =	sadd.s32 s8, s2  }
0xf: {  	s8 =	smul.u32 $0x2710, s1;
	s7 =	sshrl.u32 s7, $0x3;
	s3 =	sadd.s32 s3, s0  }
0x10: {  	s1 =	simm.s32 $0x7;
	s0 =	sadd.s32 s7, s0;
	s3 =	sadd.s32 $0x42800, s3  }
0x11: {  	s7 =	ssub.s32 s25, s9;
	[dreg:$0x4] =	wrdreg s3;
	s0 =	sadd.s32 $0x91A00, s0  }
0x12: {  	s25 =	simm.s32 $0x7400;
	s30 =	smax.u32 s7, $0x1;
	[dreg:$0x6] =	wrdreg s0  }
0x13: {  	s9 =	simm.s32 $0x8;
	s7 =	sshrl.u32 s26, $0x3;
	[dreg:$0x7] =	wrdreg s30  }
0x14: {  	s26 =	simm.s32 $0x2;
	s3 =	simm.s32 $0x5;
	[dreg:$0x8] =	wrdreg s7  }
.LBB2_1:
0x15: {  	[dreg:$0x3] =	wrdreg s12  }
0x16: {  	s0 =	rddreg [dreg:$0x4]  }
0x17: {  	[spmem:s7], [sflag:s13] =	dma.local [hbm:s0], $0x2800  }
0x18: {  	_ =	swait.ge [sflag:s14], $0x2800  }
0x19: {  	[sflag:s14] =	ssyncset.done $0x0  }
0x1a: {  	[sflag:s14] =	ssyncadd.s32 $0xFFFFD800  }
0x1b: {  	s7 =	simm.s32 $0x0;
	[bflag:$0x0] =	sbarrier.arrive $0xFFFF  }
.LBB2_2:
0x1c: {  	s12 =	smul.u32 $0x7D0, s7;
	_ =	sdelay $0x1  }
0x1d: {  	s12 =	sadd.s32 s8, s12  }
0x1e: {  	s12 =	sshrl.u32 s12, $0x3  }
0x1f: {  	s13 =	simm.s32 $0x0;
	s19 =	smul.u32 $0x1C00, s7;
	s12 =	sadd.s32 s5, s12  }
0x20: {  	[tilespmem:s13], [sflag:$0xB] =	stream.linear.gather [hbm4b:s12+s13], $0x7D0, $0x38;
	[tilespmem:$0x1C800] =	vst v63  }
0x21: {  	s0 =	sadd.s32 s10, s19;
	_ =	swait.ge [sflag:s14], $0x7D0  }
0x22: {  	s12 =	sshrl.u32 s0, $0x3;
	[sflag:s14] =	ssyncset.done $0x0  }
0x23: {  	s12 =	sadd.s32 s6, s12;
	[sflag:s14] =	ssyncadd.s32 $0xFFFFF830  }
0x24: {  	[tilespmem:s15], [sflag:$0xB] =	stream.linear.gather [hbm4b:s12+s13], $0x1900, $0x38;
	[tilespmem:$0x1C800] =	vst v63  }
0x25: {  	_ =	swait.ge [sflag:s14], $0x1900  }
0x26: {  	[sflag:s14] =	ssyncset.done $0x0  }
0x27: {  	[sflag:s14] =	ssyncadd.s32 $0xFFFFE700  }
0x28: {  	[tilespmem:s17], [sflag:$0x1] =	stream.indirect.gather [hbm4b:s4+s16], $0x80, s13, s16, $0xb8;
	[tilespmem:$0x1C800] =	vst v63  }
0x29: {  	_ = 	snop  }
0x2a: {  	[tilespmem:s18], [sflag:$0x2] =	stream.indirect.gather [hbm4b:s4+s16], $0x80, s16, s16, $0xb8;
	[tilespmem:$0x1C800] =	vst v63  }
0x2b: {  	s0 =	simm.s32 $0x50  }
0x2c: {  	[tilespmem:s20], [sflag:$0x3] =	stream.indirect.gather [hbm4b:s4+s16], $0x80, s0, s16, $0xb8;
	[tilespmem:$0x1C800] =	vst v63  }
0x2d: {  	s19 =	simm.s32 $0x78  }
0x2e: {  	[tilespmem:s22], [sflag:$0x4] =	stream.indirect.gather [hbm4b:s4+s16], $0x80, s19, s16, $0xb8;
	[tilespmem:$0x1C800] =	vst v63  }
0x2f: {  	_ =	swait.ge [sflag:s23], $0x1400  }
0x30: {  	[sflag:s23] =	ssyncset.done $0x0  }
0x31: {  	[sflag:s23] =	ssyncadd.s32 $0xFFFFEC00  }
0x32: {  	[spmem:s2] =	stream.indirect.scatter.add.f32 [tilespmem:s17], [sflag:$0x6], $0x80, s15, s16, $0xb8;
	[tilespmem:$0x1C800] =	vst v63  }
0x33: {  	s30 =	simm.s32 $0xA0  }
0x34: {  	[tilespmem:s25], [sflag:$0x5] =	stream.indirect.gather [hbm4b:s4+s16], $0x80, s30, s16, $0xb8;
	[tilespmem:$0x1C800] =	vst v63  }
0x35: {  	_ =	swait.ge [sflag:s26], $0x1400  }
0x36: {  	[sflag:s26] =	ssyncset.done $0x0  }
0x37: {  	s12 =	simm.s32 $0x880;
	[sflag:s26] =	ssyncadd.s32 $0xFFFFEC00  }
0x38: {  	[spmem:s2] =	stream.indirect.scatter.add.f32 [tilespmem:s18], [sflag:$0x7], $0x80, s12, s16, $0xb8;
	[tilespmem:$0x1C800] =	vst v63  }
0x39: {  	_ =	swait.ge [sflag:s29], $0x1400  }
0x3a: {  	[sflag:s29] =	ssyncset.done $0x0  }
0x3b: {  	s13 =	simm.s32 $0xC8;
	[sflag:s29] =	ssyncadd.s32 $0xFFFFEC00  }
0x3c: {  	[tilespmem:s17], [sflag:$0x1] =	stream.indirect.gather [hbm4b:s4+s16], $0x80, s13, s16, $0xb8;
	[tilespmem:$0x1C800] =	vst v63  }
0x3d: {  	_ =	swait.ge [sflag:s31], $0x1400  }
0x3e: {  	[sflag:s31] =	ssyncset.done $0x0  }
0x3f: {  	s19 =	simm.s32 $0x900;
	[sflag:s31] =	ssyncadd.s32 $0xFFFFEC00  }
0x40: {  	[spmem:s2] =	stream.indirect.scatter.add.f32 [tilespmem:s20], [sflag:$0x8], $0x80, s19, s16, $0xb8;
	[tilespmem:$0x1C800] =	vst v63  }
0x41: {  	_ =	swait.ge [sflag:s1], $0x1400  }
0x42: {  	[sflag:s1] =	ssyncset.done $0x0  }
0x43: {  	s30 =	simm.s32 $0xF0;
	[sflag:s1] =	ssyncadd.s32 $0xFFFFEC00  }
0x44: {  	[tilespmem:s18], [sflag:$0x2] =	stream.indirect.gather [hbm4b:s4+s16], $0x80, s30, s16, $0xb8;
	[tilespmem:$0x1C800] =	vst v63  }
0x45: {  	_ =	swait.ge [sflag:s11], $0x1400  }
0x46: {  	[sflag:s11] =	ssyncset.done $0x0  }
0x47: {  	s12 =	simm.s32 $0x980;
	[sflag:s11] =	ssyncadd.s32 $0xFFFFEC00  }
0x48: {  	[spmem:s2] =	stream.indirect.scatter.add.f32 [tilespmem:s22], [sflag:$0x9], $0x80, s12, s16, $0xb8;
	[tilespmem:$0x1C800] =	vst v63  }
0x49: {  	_ =	swait.ge [sflag:s9], $0x1400  }
0x4a: {  	[sflag:s9] =	ssyncset.done $0x0  }
0x4b: {  	s13 =	simm.s32 $0x118;
	[sflag:s9] =	ssyncadd.s32 $0xFFFFEC00  }
0x4c: {  	[tilespmem:s20], [sflag:$0x3] =	stream.indirect.gather [hbm4b:s4+s16], $0x80, s13, s16, $0xb8;
	[tilespmem:$0x1C800] =	vst v63  }
0x4d: {  	_ =	swait.ge [sflag:s3], $0x1400  }
0x4e: {  	[sflag:s3] =	ssyncset.done $0x0  }
0x4f: {  	s19 =	simm.s32 $0xA00;
	[sflag:s3] =	ssyncadd.s32 $0xFFFFEC00  }
0x50: {  	[spmem:s2] =	stream.indirect.scatter.add.f32 [tilespmem:s25], [sflag:$0xA], $0x80, s19, s16, $0xb8;
	[tilespmem:$0x1C800] =	vst v63  }
0x51: {  	_ =	swait.ge [sflag:s21], $0x1400  }
0x52: {  	[sflag:s21] =	ssyncset.done $0x0  }
0x53: {  	s30 =	simm.s32 $0x140;
	[sflag:s21] =	ssyncadd.s32 $0xFFFFEC00  }
0x54: {  	[tilespmem:s22], [sflag:$0x4] =	stream.indirect.gather [hbm4b:s4+s16], $0x80, s30, s16, $0xb8;
	[tilespmem:$0x1C800] =	vst v63  }
0x55: {  	_ =	swait.ge [sflag:s23], $0x1400  }
0x56: {  	[sflag:s23] =	ssyncset.done $0x0  }
0x57: {  	s0 =	simm.s32 $0xA80;
	[sflag:s23] =	ssyncadd.s32 $0xFFFFEC00  }
0x58: {  	[spmem:s2] =	stream.indirect.scatter.add.f32 [tilespmem:s17], [sflag:$0x6], $0x80, s0, s16, $0xb8;
	[tilespmem:$0x1C800] =	vst v63  }
0x59: {  	_ =	swait.ge [sflag:s24], $0x1400  }
0x5a: {  	[sflag:s24] =	ssyncset.done $0x0  }
0x5b: {  	s13 =	simm.s32 $0x168;
	[sflag:s24] =	ssyncadd.s32 $0xFFFFEC00  }
0x5c: {  	[tilespmem:s25], [sflag:$0x5] =	stream.indirect.gather [hbm4b:s4+s16], $0x80, s13, s16, $0xb8;
	[tilespmem:$0x1C800] =	vst v63  }
0x5d: {  	_ =	swait.ge [sflag:s26], $0x1400  }
0x5e: {  	[sflag:s26] =	ssyncset.done $0x0  }
0x5f: {  	s19 =	simm.s32 $0xB00;
	[sflag:s26] =	ssyncadd.s32 $0xFFFFEC00  }
0x60: {  	[spmem:s2] =	stream.indirect.scatter.add.f32 [tilespmem:s18], [sflag:$0x7], $0x80, s19, s16, $0xb8;
	[tilespmem:$0x1C800] =	vst v63  }
0x61: {  	_ =	swait.ge [sflag:s29], $0x1400  }
0x62: {  	[sflag:s29] =	ssyncset.done $0x0  }
0x63: {  	s30 =	simm.s32 $0x190;
	[sflag:s29] =	ssyncadd.s32 $0xFFFFEC00  }
0x64: {  	[tilespmem:s17], [sflag:$0x1] =	stream.indirect.gather [hbm4b:s4+s16], $0x80, s30, s16, $0xb8;
	[tilespmem:$0x1C800] =	vst v63  }
0x65: {  	_ =	swait.ge [sflag:s31], $0x1400  }
0x66: {  	[sflag:s31] =	ssyncset.done $0x0  }
0x67: {  	s0 =	simm.s32 $0xB80;
	[sflag:s31] =	ssyncadd.s32 $0xFFFFEC00  }
0x68: {  	[spmem:s2] =	stream.indirect.scatter.add.f32 [tilespmem:s20], [sflag:$0x8], $0x80, s0, s16, $0xb8;
	[tilespmem:$0x1C800] =	vst v63  }
0x69: {  	_ =	swait.ge [sflag:s1], $0x1400  }
0x6a: {  	[sflag:s1] =	ssyncset.done $0x0  }
0x6b: {  	s13 =	simm.s32 $0x1B8;
	[sflag:s1] =	ssyncadd.s32 $0xFFFFEC00  }
0x6c: {  	[tilespmem:s18], [sflag:$0x2] =	stream.indirect.gather [hbm4b:s4+s16], $0x80, s13, s16, $0xb8;
	[tilespmem:$0x1C800] =	vst v63  }
0x6d: {  	_ =	swait.ge [sflag:s11], $0x1400  }
0x6e: {  	[sflag:s11] =	ssyncset.done $0x0  }
0x6f: {  	s19 =	simm.s32 $0xC00;
	[sflag:s11] =	ssyncadd.s32 $0xFFFFEC00  }
0x70: {  	[spmem:s2] =	stream.indirect.scatter.add.f32 [tilespmem:s22], [sflag:$0x9], $0x80, s19, s16, $0xb8;
	[tilespmem:$0x1C800] =	vst v63  }
0x71: {  	_ =	swait.ge [sflag:s9], $0x1400  }
0x72: {  	[sflag:s9] =	ssyncset.done $0x0  }
0x73: {  	s30 =	simm.s32 $0x1E0;
	[sflag:s9] =	ssyncadd.s32 $0xFFFFEC00  }
0x74: {  	[tilespmem:s20], [sflag:$0x3] =	stream.indirect.gather [hbm4b:s4+s16], $0x80, s30, s16, $0xb8;
	[tilespmem:$0x1C800] =	vst v63  }
0x75: {  	_ =	swait.ge [sflag:s3], $0x1400  }
0x76: {  	s28 =	simm.s32 $0xC80;
	[sflag:s3] =	ssyncset.done $0x0  }
0x77: {  	s12 =	simm.s32 $0xF00;
	s13 =	simm.s32 $0x320;
	[sflag:s3] =	ssyncadd.s32 $0xFFFFEC00  }
.LBB2_3:
0x78: {  	s19 =	smov.u32 s12  }
0x79: {  	[spmem:s2] =	stream.indirect.scatter.add.f32 [tilespmem:s25], [sflag:$0xA], $0x80, s28, s16, $0xb8;
	[tilespmem:$0x1C800] =	vst v63  }
0x7a: {  	s28 =	smov.u32 s13;
	s13 =	sadd.s32 $0x320, s13;
	_ =	swait.ge [sflag:s21], $0x1400  }
0x7b: {  	s30 =	sshra.s32 s28, $0x2;
	p0 =	sne.s32 s13, $0x1900;
	[sflag:s21] =	ssyncset.done $0x0  }
0x7c: {  	s28 =	smov.u32 s12;
	s0 =	sadd.s32 $0x140, s30;
	[sflag:s21] =	ssyncadd.s32 $0xFFFFEC00  }
0x7d: {  	[tilespmem:s22], [sflag:$0x4] =	stream.indirect.gather [hbm4b:s4+s16], $0x80, s0, s16, $0xb8;
	[tilespmem:$0x1C800] =	vst v63  }
0x7e: {  	_ =	swait.ge [sflag:s23], $0x1400  }
0x7f: {  	[sflag:s23] =	ssyncset.done $0x0  }
0x80: {  	s0 =	sadd.s32 $0xFFFFFE00, s12;
	[sflag:s23] =	ssyncadd.s32 $0xFFFFEC00  }
0x81: {  	[spmem:s2] =	stream.indirect.scatter.add.f32 [tilespmem:s17], [sflag:$0x6], $0x80, s0, s16, $0xb8;
	[tilespmem:$0x1C800] =	vst v63  }
0x82: {  	_ =	swait.ge [sflag:s24], $0x1400  }
0x83: {  	[sflag:s24] =	ssyncset.done $0x0  }
0x84: {  	s0 =	sadd.s32 $0x168, s30;
	[sflag:s24] =	ssyncadd.s32 $0xFFFFEC00  }
0x85: {  	[tilespmem:s25], [sflag:$0x5] =	stream.indirect.gather [hbm4b:s4+s16], $0x80, s0, s16, $0xb8;
	[tilespmem:$0x1C800] =	vst v63  }
0x86: {  	_ =	swait.ge [sflag:s26], $0x1400  }
0x87: {  	[sflag:s26] =	ssyncset.done $0x0  }
0x88: {  	s0 =	sadd.s32 $0xFFFFFE80, s12;
	[sflag:s26] =	ssyncadd.s32 $0xFFFFEC00  }
0x89: {  	[spmem:s2] =	stream.indirect.scatter.add.f32 [tilespmem:s18], [sflag:$0x7], $0x80, s0, s16, $0xb8;
	[tilespmem:$0x1C800] =	vst v63  }
0x8a: {  	_ =	swait.ge [sflag:s29], $0x1400  }
0x8b: {  	[sflag:s29] =	ssyncset.done $0x0  }
0x8c: {  	s0 =	sadd.s32 $0x190, s30;
	[sflag:s29] =	ssyncadd.s32 $0xFFFFEC00  }
0x8d: {  	[tilespmem:s17], [sflag:$0x1] =	stream.indirect.gather [hbm4b:s4+s16], $0x80, s0, s16, $0xb8;
	[tilespmem:$0x1C800] =	vst v63  }
0x8e: {  	_ =	swait.ge [sflag:s31], $0x1400  }
0x8f: {  	[sflag:s31] =	ssyncset.done $0x0  }
0x90: {  	s0 =	sadd.s32 $0xFFFFFF00, s12;
	[sflag:s31] =	ssyncadd.s32 $0xFFFFEC00  }
0x91: {  	[spmem:s2] =	stream.indirect.scatter.add.f32 [tilespmem:s20], [sflag:$0x8], $0x80, s0, s16, $0xb8;
	[tilespmem:$0x1C800] =	vst v63  }
0x92: {  	_ =	swait.ge [sflag:s1], $0x1400  }
0x93: {  	[sflag:s1] =	ssyncset.done $0x0  }
0x94: {  	s0 =	sadd.s32 $0x1B8, s30;
	[sflag:s1] =	ssyncadd.s32 $0xFFFFEC00  }
0x95: {  	[tilespmem:s18], [sflag:$0x2] =	stream.indirect.gather [hbm4b:s4+s16], $0x80, s0, s16, $0xb8;
	[tilespmem:$0x1C800] =	vst v63  }
0x96: {  	_ =	swait.ge [sflag:s11], $0x1400  }
0x97: {  	[sflag:s11] =	ssyncset.done $0x0  }
0x98: {  	s0 =	sadd.s32 $0xFFFFFF80, s12;
	[sflag:s11] =	ssyncadd.s32 $0xFFFFEC00  }
0x99: {  	[spmem:s2] =	stream.indirect.scatter.add.f32 [tilespmem:s22], [sflag:$0x9], $0x80, s0, s16, $0xb8;
	[tilespmem:$0x1C800] =	vst v63  }
0x9a: {  	_ =	swait.ge [sflag:s9], $0x1400  }
0x9b: {  	[sflag:s9] =	ssyncset.done $0x0  }
.Ltmp0:
0x9c: {  	s0 =	sadd.s32 $0x1E0, s30;
	[sflag:s9] =	ssyncadd.s32 $0xFFFFEC00;
	(pc) =	sbr.rel @p0 .LBB2_3-.Ltmp0, $4  }
0x9d: {  	[tilespmem:s20], [sflag:$0x3] =	stream.indirect.gather [hbm4b:s4+s16], $0x80, s0, s16, $0xb8;
	[tilespmem:$0x1C800] =	vst v63  }
0x9e: {  	_ =	swait.ge [sflag:s3], $0x1400  }
0x9f: {  	[sflag:s3] =	ssyncset.done $0x0  }
0xa0: {  	s12 =	sadd.s32 $0x280, s12;
	[sflag:s3] =	ssyncadd.s32 $0xFFFFEC00  }
0xa1: {  	[spmem:s2] =	stream.indirect.scatter.add.f32 [tilespmem:s25], [sflag:$0xA], $0x80, s28, s16, $0xb8;
	[tilespmem:$0x1C800] =	vst v63  }
0xa2: {  	_ =	swait.ge [sflag:s21], $0x1400  }
0xa3: {  	s0 =	sshra.s32 s13, $0x2;
	[sflag:s21] =	ssyncset.done $0x0  }
0xa4: {  	s0 =	sadd.s32 $0x140, s0;
	[sflag:s21] =	ssyncadd.s32 $0xFFFFEC00  }
0xa5: {  	[tilespmem:s22], [sflag:$0x4] =	stream.indirect.gather [hbm4b:s4+s16], $0x80, s0, s16, $0xb8;
	[tilespmem:$0x1C800] =	vst v63  }
0xa6: {  	_ =	swait.ge [sflag:s23], $0x1400  }
0xa7: {  	[sflag:s23] =	ssyncset.done $0x0  }
0xa8: {  	s30 =	sadd.s32 $0x80, s19;
	[sflag:s23] =	ssyncadd.s32 $0xFFFFEC00  }
0xa9: {  	[spmem:s2] =	stream.indirect.scatter.add.f32 [tilespmem:s17], [sflag:$0x6], $0x80, s30, s16, $0xb8;
	[tilespmem:$0x1C800] =	vst v63  }
0xaa: {  	_ =	swait.ge [sflag:s24], $0x1400  }
0xab: {  	[sflag:s24] =	ssyncset.done $0x0  }
0xac: {  	s12 =	simm.s32 $0x7A8;
	[sflag:s24] =	ssyncadd.s32 $0xFFFFEC00  }
0xad: {  	[tilespmem:s25], [sflag:$0x5] =	stream.indirect.gather [hbm4b:s4+s16], $0x80, s12, s16, $0xb8;
	[tilespmem:$0x1C800] =	vst v63  }
0xae: {  	_ =	swait.ge [sflag:s26], $0x1400  }
0xaf: {  	[sflag:s26] =	ssyncset.done $0x0  }
0xb0: {  	s13 =	sadd.s32 $0x100, s19;
	[sflag:s26] =	ssyncadd.s32 $0xFFFFEC00  }
0xb1: {  	[spmem:s2] =	stream.indirect.scatter.add.f32 [tilespmem:s18], [sflag:$0x7], $0x80, s13, s16, $0xb8;
	[tilespmem:$0x1C800] =	vst v63  }
0xb2: {  	_ =	swait.ge [sflag:s29], $0x1400  }
0xb3: {  	[sflag:s29] =	ssyncset.done $0x0  }
0xb4: {  	[sflag:s29] =	ssyncadd.s32 $0xFFFFEC00  }
0xb5: {  	_ =	swait.ge [sflag:s31], $0x1400  }
0xb6: {  	[sflag:s31] =	ssyncset.done $0x0  }
0xb7: {  	s19 =	sadd.s32 $0x180, s19;
	[sflag:s31] =	ssyncadd.s32 $0xFFFFEC00  }
0xb8: {  	[spmem:s2] =	stream.indirect.scatter.add.f32 [tilespmem:s20], [sflag:$0x8], $0x80, s19, s16, $0xb8;
	[tilespmem:$0x1C800] =	vst v63  }
0xb9: {  	_ =	swait.ge [sflag:s1], $0x1400  }
0xba: {  	[sflag:s1] =	ssyncset.done $0x0  }
0xbb: {  	[sflag:s1] =	ssyncadd.s32 $0xFFFFEC00  }
0xbc: {  	_ =	swait.ge [sflag:s11], $0x1400  }
0xbd: {  	[sflag:s11] =	ssyncset.done $0x0  }
0xbe: {  	s28 =	simm.s32 $0x2000;
	[sflag:s11] =	ssyncadd.s32 $0xFFFFEC00  }
0xbf: {  	[spmem:s2] =	stream.indirect.scatter.add.f32 [tilespmem:s22], [sflag:$0x9], $0x80, s28, s16, $0xb8;
	[tilespmem:$0x1C800] =	vst v63  }
0xc0: {  	_ =	swait.ge [sflag:s9], $0x1400  }
0xc1: {  	[sflag:s9] =	ssyncset.done $0x0  }
0xc2: {  	[sflag:s9] =	ssyncadd.s32 $0xFFFFEC00  }
0xc3: {  	_ =	swait.ge [sflag:s3], $0x1400  }
0xc4: {  	[sflag:s3] =	ssyncset.done $0x0  }
0xc5: {  	s7 =	sadd.s32 $0x1, s7;
	s30 =	simm.s32 $0x2080;
	[sflag:s3] =	ssyncadd.s32 $0xFFFFEC00  }
0xc6: {  	[spmem:s2] =	stream.indirect.scatter.add.f32 [tilespmem:s25], [sflag:$0xA], $0x80, s30, s16, $0xb8;
	[tilespmem:$0x1C800] =	vst v63  }
0xc7: {  	p0 =	sne.s32 s7, $0x5;
	_ =	swait.ge [sflag:s21], $0x1400  }
.Ltmp1:
0xc8: {  	[sflag:s21] =	ssyncset.done $0x0;
	(pc) =	sbr.rel @p0 .LBB2_2-.Ltmp1, $4  }
0xc9: {  	[sflag:s21] =	ssyncadd.s32 $0xFFFFEC00  }
0xca: {  	_ =	swait.ge [sflag:s24], $0x1400  }
0xcb: {  	[sflag:s24] =	ssyncset.done $0x0  }
0xcc: {  	[sflag:s24] =	ssyncadd.s32 $0xFFFFEC00  }
0xcd: {  	[bflag:$0x0] =	sbarrier.arrive $0xFFFF  }
0xce: {  	s13 =	rddreg [dreg:$0x5]  }
0xcf: {  	s0 =	rddreg [dreg:$0x6]  }
0xd0: {  	s7 =	rddreg [dreg:$0x8]  }
0xd1: {  	[hbm:s0], [sflag:s13] =	dma.local [spmem:s7], $0x2800  }
0xd2: {  	_ =	swait.ge [sflag:s14], $0x2800  }
0xd3: {  	s12 =	rddreg [dreg:$0x3]  }
0xd4: {  	s30 =	rddreg [dreg:$0x7];
	s12 =	sadd.s32 $0x1, s12  }
0xd5: {  	p0 =	sne.s32 s12, s30  }
.Ltmp2:
0xd6: {  	_ = 	snop;
	(pc) =	sbr.rel @p0 .LBB2_1-.Ltmp2, $3  }
0xd7: {  	_ =	sdelay $0x1  }
0xd8: {  	[sflag:s14] =	ssyncset.done $0x0  }
0xd9: {  	[sflag:s14] =	ssyncadd.s32 $0xFFFFD800  }
0xda: {  	_ =	sfence.sel $0x180000  }
0xdb: {  	[bflag:$0x0] =	sbarrier.arrive $0xFFFF  }
0xdc: {  	_ =	strace $0x9000004D  }
0xdd: {  	s0 =	stileid.u32;
	[bflag:$0x2] =	sbarrier.arrive $0xFFFF  }
0xde: {  	p0 =	sne.s32 s0, $0x0;
	s0 =	rddreg [dreg:$0x2]  }
0xdf: {  	s0 =	sadd.s32 @!p0 $0x100000, s0  }
0xe0: {  	[sflag:s0] =	ssyncadd.tile.s32 @!p0 $0x1;
	_ =	shalt  }
.Lfunc_end2:
_tile_overlayer_lowered:
.L_overlay_start_2:
0xe1: {  	(tag) =	ssettag $0x2  }
0xe2: {  	s0 =	rddreg [dreg:$0x0];
	s2 =	stileid.u32  }
0xe3: {  	s1 =	rddreg [dreg:$0x1];
	p0 =	sne.s32 s2, $0x0  }
0xe4: {  	s3 =	rddreg [dreg:$0x2];
	[bflag:$0x3] =	sbarrier.arrive $0xFFFF;
	s2 =	simm.s32 @!p0 $0x1C0B  }
0xe5: {  	[timem:s3], [sflag:s2] =	dma.local @!p0 [hbm:s0], s1  }
0xe6: {  	s0 =	simm.s32 @!p0 $0xB  }
0xe7: {  	_ =	swait.ge @!p0 [sflag:s0], s1  }
0xe8: {  	s1 =	ssub.s32 @!p0 $0x0, s1;
	[sflag:s0] =	ssyncset.done @!p0 $0x0  }
0xe9: {  	[sflag:s0] =	ssyncadd.s32 @!p0 s1  }
0xea: {  	[bflag:$0x3] =	sbarrier.arrive $0xFFFF  }
0xeb: {  	_ =	shalt  }

// kernel: kernel.7.cloned.1.call-start
scs
__scs_entry_jumppad:
0x0: {  	(pc) =	sbr.rel $0x88, $3  }
0x1: {  	(tag) =	ssettag $0x0;
	lr =	simm.s32 $0x1  }
0x2: {  	[smem:$0x3F99] =	sst lr;
	_ =	strace $0xD0000000  }
0x3: {  	_ = 	snop  }
0x4: {  	_ = 	snop  }
0x5: {  	_ = 	snop  }
0x6: {  	_ = 	snop  }
0x7: {  	_ = 	snop  }
__scs_overlays_trampoline_lowered:
0x8: {  	[smem:$0x3FA8] =	sst s0  }
0x9: {  	[smem:$0x3FA9] =	sst s1  }
0xa: {  	[smem:$0x3FAA] =	sst s2  }
0xb: {  	[smem:$0x3FAB] =	sst s3  }
0xc: {  	[smem:$0x3FAC] =	sst s4  }
0xd: {  	[smem:$0x3FAD] =	sst s5  }
0xe: {  	[smem:$0x3FAE] =	sst s6  }
0xf: {  	[smem:$0x3FAF] =	sst s7  }
0x10: {  	[smem:$0x3FB0] =	sst s8  }
0x11: {  	[smem:$0x3FB1] =	sst s9;
	s0 =	simm.s32 @!p0 $0x0  }
0x12: {  	s1 =	sld [smem:$0x3F97];
	s0 =	simm.s32 @p0 $0x1  }
0x13: {  	[smem:$0x3FB2] =	sst s0;
	s0 =	simm.s32 @!p1 $0x0  }
0x14: {  	s2 =	sld [smem:$0x3F96];
	s0 =	simm.s32 @p1 $0x1  }
0x15: {  	[smem:$0x3FB3] =	sst s0;
	s0 =	simm.s32 @!p2 $0x0  }
0x16: {  	s3 =	sld [smem:$0x3FDB];
	s0 =	simm.s32 @p2 $0x1  }
0x17: {  	s4 =	simm.s32 $0x1BF5;
	[smem:$0x3FB5] =	sst s0  }
0x18: {  	s0 =	sld [smem:$0x3F98];
	_ =	swait.ge [sflag:s4], $0x0  }
0x19: {  	s7 =	sld [smem:$0x3F99]  }
0x1a: {  	s8 =	sadd.s32 $0xFFFFE003, lr  }
0x1b: {  	s9 =	sadd.s32 $0xFFFFFEF7, lr;
	s5 =	simm.s32 $0xFFFFFFFF;
	p2 =	slt.u32 s8, $0xFFFFF086  }
0x1c: {  	p1 =	slt.u32 s9, $0xF7A;
	s5 =	simm.s32 @!p2 $0x0  }
0x1d: {  	s5 =	simm.s32 @p1 $0x1;
	p0 =	seq.s32 s7, s2  }
0x1e: {  	s7 =	smul.u32 @!p0 $0xF7A, s2;
	p2 =	seq.s32 @!p0 s5, $0x0  }
0x1f: {  	s9 =	smul.u32 $0xF7A, s1;
	s8 =	simm.s32 @!p0 $0x1BF5;
	p2 =	por !p2, p0  }
0x20: {  	[sflag:s8] =	ssyncset.s32 @!p0 $0xFFFFF086;
	s6 =	sadd.s32 @!p0 s3, s7;
	s7 =	simm.s32 @!p0 $0x108  }
0x21: {  	s3 =	sadd.s32 s3, s9;
	s6 =	sadd.s32 @!p0 $0x88, s6;
	s7 =	simm.s32 @p2 $0x1082  }
0x22: {  	[simem:s7], [sflag:s8] =	dma.local @!p0 [hbm:s6], $0xF7A  }
0x23: {  	s9 =	sor.u32 $0xD0000000, s2;
	s6 =	simm.s32 $0x108;
	_ =	swait.ge @!p0 [sflag:s8], $0x0  }
0x24: {  	s3 =	sadd.s32 $0x88, s3;
	s6 =	simm.s32 @!p1 $0x1082;
	[sflag:s4] =	ssyncset.s32 $0xFFFFF086  }
0x25: {  	[simem:s6], [sflag:s4] =	dma.local [hbm:s3], $0xF7A  }
0x26: {  	[smem:$0x3F99] =	sst s1;
	(tag) =	ssettag s2;
	_ =	strace s9  }
0x27: {  	s1 =	sld [smem:$0x3FA9]  }
0x28: {  	s2 =	sld [smem:$0x3FAA]  }
0x29: {  	s4 =	sld [smem:$0x3FAC]  }
0x2a: {  	p0 =	seq.s32 s5, $0x0;
	s5 =	sld [smem:$0x3FAD]  }
0x2b: {  	s6 =	sld [smem:$0x3FAE]  }
0x2c: {  	s7 =	sld [smem:$0x3FAF]  }
0x2d: {  	s3 =	simm.s32 $0x108;
	s8 =	sld [smem:$0x3FB0]  }
0x2e: {  	s3 =	simm.s32 @!p0 $0x1082;
	s9 =	sld [smem:$0x3FB1]  }
0x2f: {  	lr =	sadd.s32 s0, s3;
	s0 =	sld [smem:$0x3FA8]  }
0x30: {  	s3 =	sld [smem:$0x3FAB]  }
0x31: {  	[smem:$0x3FB4] =	sst s10  }
0x32: {  	s10 =	sld [smem:$0x3FB2];
	_ =	sdelay $0x3  }
0x33: {  	p0 =	seq.s32 s10, $0x1;
	s10 =	sld [smem:$0x3FB4];
	_ =	sdelay $0x3  }
0x34: {  	[smem:$0x3FB4] =	sst s10  }
0x35: {  	s10 =	sld [smem:$0x3FB3];
	_ =	sdelay $0x3  }
0x36: {  	p1 =	seq.s32 s10, $0x1;
	s10 =	sld [smem:$0x3FB4];
	_ =	sdelay $0x3  }
0x37: {  	[smem:$0x3FB4] =	sst s10  }
0x38: {  	s10 =	sld [smem:$0x3FB5]  }
0x39: {  	_ = 	snop;
	(pc) =	sbr.ind lr, $3  }
0x3a: {  	_ = 	snop  }
0x3b: {  	_ = 	snop  }
0x3c: {  	p2 =	seq.s32 s10, $0x1;
	s10 =	sld [smem:$0x3FB4]  }
0x3d: {  	_ =	shalt  }
0x3e: {  	_ =	shalt  }
0x3f: {  	_ =	shalt  }
0x40: {  	_ =	shalt  }
0x41: {  	_ =	shalt  }
0x42: {  	_ =	shalt  }
0x43: {  	_ =	shalt  }
0x44: {  	_ =	shalt  }
0x45: {  	_ =	shalt  }
0x46: {  	_ =	shalt  }
0x47: {  	_ =	shalt  }
0x48: {  	_ =	shalt  }
0x49: {  	_ =	shalt  }
0x4a: {  	_ =	shalt  }
0x4b: {  	_ =	shalt  }
0x4c: {  	_ =	shalt  }
0x4d: {  	_ =	shalt  }
0x4e: {  	_ =	shalt  }
0x4f: {  	_ =	shalt  }
0x50: {  	_ =	shalt  }
0x51: {  	_ =	shalt  }
0x52: {  	_ =	shalt  }
0x53: {  	_ =	shalt  }
0x54: {  	_ =	shalt  }
0x55: {  	_ =	shalt  }
0x56: {  	_ =	shalt  }
0x57: {  	_ =	shalt  }
0x58: {  	_ =	shalt  }
0x59: {  	_ =	shalt  }
0x5a: {  	_ =	shalt  }
0x5b: {  	_ =	shalt  }
0x5c: {  	_ =	shalt  }
0x5d: {  	_ =	shalt  }
0x5e: {  	_ =	shalt  }
0x5f: {  	_ =	shalt  }
0x60: {  	_ =	shalt  }
0x61: {  	_ =	shalt  }
0x62: {  	_ =	shalt  }
0x63: {  	_ =	shalt  }
0x64: {  	_ =	shalt  }
0x65: {  	_ =	shalt  }
0x66: {  	_ =	shalt  }
0x67: {  	_ =	shalt  }
0x68: {  	_ =	shalt  }
0x69: {  	_ =	shalt  }
0x6a: {  	_ =	shalt  }
0x6b: {  	_ =	shalt  }
0x6c: {  	_ =	shalt  }
0x6d: {  	_ =	shalt  }
0x6e: {  	_ =	shalt  }
0x6f: {  	_ =	shalt  }
0x70: {  	_ =	shalt  }
0x71: {  	_ =	shalt  }
0x72: {  	_ =	shalt  }
0x73: {  	_ =	shalt  }
0x74: {  	_ =	shalt  }
0x75: {  	_ =	shalt  }
0x76: {  	_ =	shalt  }
0x77: {  	_ =	shalt  }
0x78: {  	_ =	shalt  }
0x79: {  	_ =	shalt  }
0x7a: {  	_ =	shalt  }
0x7b: {  	_ =	shalt  }
0x7c: {  	_ =	shalt  }
0x7d: {  	_ =	shalt  }
0x7e: {  	_ =	shalt  }
0x7f: {  	_ =	shalt  }
0x80: {  	_ =	shalt  }
0x81: {  	_ =	shalt  }
0x82: {  	_ =	shalt  }
0x83: {  	_ =	shalt  }
0x84: {  	_ =	shalt  }
0x85: {  	_ =	shalt  }
0x86: {  	_ =	shalt  }
0x87: {  	_ =	shalt  }
.Lfunc_end0:
.L_simem_size_0:
called_computation_lowered:
.L_overlay_start_0:
0x88: {  	s2 =	sld [smem:$0x3FD9]  }
0x89: {  	s3 =	sld [smem:$0x3FFE];
	_ =	sdelay $0x1  }
0x8a: {  	s1 =	srdreg.scid  }
0x8b: {  	s0 =	sand.u32 $0x1, s1  }
0x8c: {  	s16 =	sshll.u32 s0, $0xA;
	s2 =	sadd.s32 s3, s2  }
0x8d: {  	s2 =	sadd.s32 s2, s16  }
0x8e: {  	[smem:$0x3FC0] =	sst s2  }
0x8f: {  	_ = 	snop  }
0x90: {  	(tm) =	ssettm $0x1  }
0x91: {  	s17 =	sld [smem:$0x3FFB];
	_ =	sdelay $0x3  }
0x92: {  	_ =	strace s17  }
0x93: {  	s2 =	sld [smem:$0x3FFC];
	_ =	sdelay $0x3  }
0x94: {  	_ =	strace s2  }
0x95: {  	s2 =	sld [smem:$0x3FFD];
	_ =	sdelay $0x3  }
0x96: {  	_ =	strace s2  }
0x97: {  	_ =	strace $0x8FFFFFFF  }
0x98: {  	s18 =	sld [smem:$0x3FDB];
	_ =	sdelay $0x1  }
0x99: {  	s19 =	simm.s32 $_scs_section_size  }
0x9a: {  	s4 =	simm.s32 $_size__tile_overlayer_lowered;
	s5 =	simm.s32 $_tile_overlayer_lowered  }
0x9b: {  	s22 =	simm.s32 $0x1BFF;
	s21 =	sshll.u32 s5, $0x1;
	s2 =	sadd.s32 s19, s18  }
0x9c: {  	s6 =	simm.s32 $0x0;
	s20 =	sshll.u32 s4, $0x1;
	s4 =	sadd.s32 s21, s2  }
0x9d: {  	[timem:s6], [sflag:s22] =	dma.local [hbm:s4], s20  }
0x9e: {  	_ =	swait.ge [sflag:s22], s20  }
0x9f: {  	s3 =	ssub.s32 $0x0, s20;
	[sflag:s22] =	ssyncset.done $0x0  }
0xa0: {  	[sflag:s22] =	ssyncadd.s32 s3;
	_ =	sdelay $0x1  }
0xa1: {  	s23 =	simm.s32 $0x1B8B  }
0xa2: {  	_ =	swait.ge [sflag:s23], $0x1  }
0xa3: {  	[sflag:s23] =	ssyncset.done $0x0  }
0xa4: {  	s25 =	simm.s32 $0x1B8E;
	s24 =	sld [smem:$0x3FFE];
	[sflag:s23] =	ssyncadd.s32 $0xFFFFFFFF  }
0xa5: {  	s26 =	simm.s32 $execute0_lowered;
	[smem:$0x3FD2] =	sst s25  }
0xa6: {  	s4 =	sshll.u32 s26, $0x1;
	_ =	strace $0x80000046;
	[dreg:$0x1] =	wrdreg $0xFFFFFFFF  }
0xa7: {  	s28 =	simm.s32 $_size_execute0_lowered;
	s2 =	sadd.s32 s2, s4;
	[dreg:$0x0] =	wrdreg $0x0  }
0xa8: {  	s4 =	sshll.u32 s28, $0x1;
	[dreg:$0x2] =	wrdreg s2  }
0xa9: {  	[dreg:$0x3] =	wrdreg s4  }
0xaa: {  	[dreg:$0x4] =	wrdreg $0xC0  }
0xab: {  	_ =	task [dreg:s6], $0x5FFFF  }
0xac: {  	[dreg:$0x1] =	wrdreg $0xFFFFFFFF  }
0xad: {  	[dreg:$0x0] =	wrdreg $0x60  }
0xae: {  	[dreg:$0x2] =	wrdreg s24  }
0xaf: {  	[dreg:$0x3] =	wrdreg $0x9  }
0xb0: {  	_ =	task.clear_ibuf [dreg:s6], $0x4FFFF;
	_ =	strace $0x90000046  }
0xb1: {  	s29 =	simm.s32 $0x9;
	_ =	strace $0x80000048  }
0xb2: {  	_ =	swait.ge [sflag:s29], $0x1  }
0xb3: {  	[sflag:s29] =	ssyncadd.s32 $0xFFFFFFFF  }
0xb4: {  	_ =	strace $0x90000048  }
0xb5: {  	_ =	sfence  }
0xb6: {  	s30 =	sld [smem:$0x0];
	_ =	sdelay $0x2  }
0xb7: {  	s31 =	sshll.u32 s1, $0xD;
	s1 =	sshrl.u32 s1, $0x2  }
0xb8: {  	s3 =	sand.u32 $0x4000, s31;
	s1 =	sadd.s32 s1, s30  }
0xb9: {  	s0 =	sor.u32 s3, s0;
	s1 =	sshll.u32 s1, $0x11  }
0xba: {  	s0 =	sor.u32 s1, s0  }
0xbb: {  	s0 =	sadd.s32 $0x8F2B, s0  }
0xbc: {  	[sflag:s0] =	ssyncadd.remote.s32 $0x1  }
0xbd: {  	_ =	sfence.sel $0xFFFF  }
0xbe: {  	[dreg:$0x0] =	wrdreg $0xFFFFFFFF;
	(pc) =	sbr.abs _section_cstart, $3  }
0xbf: {  	[dreg:$0x1] =	wrdreg $0xFFFFFFFF  }
0xc0: {  	_ =	task.clear_ibuf [dreg:s6], $0x2FFFF;
	_ =	strace $0x9FFFFFFF  }
0xc1: {  	(tm) =	ssettm $0x7FFFFFFF  }
tec
execute0_lowered:
.L_overlay_start_1:
0x0: {  	(tag) =	ssettag $0x1  }
0x1: {  	s1 =	srdreg.scid;
	s0 =	stileid.u32  }
0x2: {  	s4 =	rddreg [dreg:$0x0];
	s9 =	simm.s32 $0x400;
	s10 =	simm.s32 $0x0  }
0x3: {  	s3 =	sand.u32 $0x1, s1;
	s2 =	sshrl.u32 s0, $0x3;
	s1 =	rddreg [dreg:$0x1]  }
0x4: {  	s7 =	sshll.u32 s0, $0x1;
	s8 =	sshll.u32 s0, $0x7;
	s5 =	smul.u32 $0x28000, s3  }
0x5: {  	s6 =	smul.u32 $0x14000, s2;
	s2 =	simm.s32 $0x0;
	s7 =	sor.u32 s3, s7  }
0x6: {  	s29 =	sand.u32 $0x380, s8;
	s3 =	ssub.s32 $0x2, s3;
	s8 =	simm.s32 $0x80  }
0x7: {  	[smem:$0x7FF] =	sst s2;
	s7 =	smul.u32 $0x4E2, s7;
	s5 =	sadd.s32 s5, s6  }
0x8: {  	s31 =	sshrl.u32 s3, $0x1;
	_ =	strace $0x80000047;
	s5 =	sor.u32 s29, s5  }
0x9: {  	s6 =	simm.s32 $0x1;
	s30 =	sadd.s32 s7, s4;
	s5 =	sshrl.u32 s5, $0x3  }
0xa: {  	s7 =	simm.s32 $0x2780;
	s4 =	sadd.s32 s5, s4;
	s5 =	ssub.s32 s3, s31  }
0xb: {  	v0 =	vimm.f32 $0.0e+00;
	v1 =	vimm.f32 $1.000000000e+00;
	s3 =	sadd.s32 $0x1C00, s30;
	s4 =	sadd.s32 $0x15800, s4;
	s5 =	smax.u32 s5, $0x1  }
.LBB2_1:
0xc: {  	[tilespmem:s2], [sflag:$0x1] =	stream.linear.gather [hbm4b:s3+s2], $0x2710, $0x38;
	[tilespmem:$0x4F80] =	vst v63  }
0xd: {  	_ =	swait.ge [sflag:s6], $0x2710  }
0xe: {  	[sflag:s6] =	ssyncset.done $0x0  }
0xf: {  	s11 =	simm.s32 $0x0;
	[sflag:s6] =	ssyncadd.s32 $0xFFFFD8F0  }
.LBB2_2:
0x10: {  	p0 =	sne.s32 s11, $0x9FC0  }
.Ltmp0:
0x11: {  	_ = 	snop;
	(pc) =	sbr.rel @p0 .LBB2_2-.Ltmp0, $3  }
0x12: {  	_ =	sdelay $0x1  }
0x13: {  	s12 =	sshra.s32 s11, $0x2  }
0x14: {  	s11 =	sadd.s32 $0x40, s11;
	[tilespmem:s12+$0x2780] =	vst v0  }
0x15: {  	s12 =	simm.s32 $0x0;
	s11 =	simm.s32 $0x40  }
.LBB2_4:
0x16: {  	p0 =	sne.s32 s11, $0x9C00;
	v2 =	vld [tilespmem:s12+$0x0];
	_ =	sdelay $0x3  }
.Ltmp1:
0x17: {  	(pc) =	sbr.rel @p0 .LBB2_4-.Ltmp1, $2  }
0x18: {  	_ =	sdelay $0x2  }
0x19: {  	s12 =	sshra.s32 s11, $0x2;
	s11 =	sadd.s32 $0x40, s11;
	[tilespmem:v2+s7+$0x0] =	vst.idx.add.f32.msk $0xffff, v1  }
0x1a: {  	v2 =	vld [tilespmem:s12+$0x0];
	_ =	sdelay $0x5  }
0x1b: {  	s10 =	sadd.s32 $0x1, s10  }
0x1c: {  	p0 =	sne.s32 s10, s5  }
.Ltmp2:
0x1d: {  	[tilespmem:v2+s7+$0x0] =	vst.idx.add.f32.msk $0xffff, v1;
	(pc) =	sbr.rel @p0 .LBB2_1-.Ltmp2, $4  }
0x1e: {  	[hbm4b:s4+s8] =	stream.strided.scatter [tilespmem:s7], [sflag:$0x1], $0x2800, s9, s8, $0x38;
	[tilespmem:$0x4F80] =	vst v63  }
0x1f: {  	_ =	swait.ge [sflag:s6], $0x2800  }
0x20: {  	[sflag:s6] =	ssyncset.done $0x0  }
0x21: {  	[sflag:s6] =	ssyncadd.s32 $0xFFFFD800  }
0x22: {  	_ =	sfence.sel $0x180000  }
0x23: {  	[bflag:$0x0] =	sbarrier.arrive $0xFFFF  }
0x24: {  	p0 =	sne.s32 s0, $0x0;
	_ =	strace $0x90000047  }
0x25: {  	s0 =	sadd.s32 @!p0 $0x100000, s1;
	[bflag:$0x2] =	sbarrier.arrive $0xFFFF  }
0x26: {  	[sflag:s0] =	ssyncadd.tile.s32 @!p0 $0x1;
	_ =	shalt  }
.Lfunc_end2:
_tile_overlayer_lowered:
.L_overlay_start_2:
0x27: {  	(tag) =	ssettag $0x2  }
0x28: {  	s0 =	rddreg [dreg:$0x0];
	s2 =	stileid.u32  }
0x29: {  	s1 =	rddreg [dreg:$0x1];
	p0 =	sne.s32 s2, $0x0  }
0x2a: {  	s3 =	rddreg [dreg:$0x2];
	[bflag:$0x3] =	sbarrier.arrive $0xFFFF;
	s2 =	simm.s32 @!p0 $0x1C01  }
0x2b: {  	[timem:s3], [sflag:s2] =	dma.local @!p0 [hbm:s0], s1  }
0x2c: {  	s0 =	simm.s32 @!p0 $0x1  }
0x2d: {  	_ =	swait.ge @!p0 [sflag:s0], s1  }
0x2e: {  	s1 =	ssub.s32 @!p0 $0x0, s1;
	[sflag:s0] =	ssyncset.done @!p0 $0x0  }
0x2f: {  	[sflag:s0] =	ssyncadd.s32 @!p0 s1  }
0x30: {  	[bflag:$0x3] =	sbarrier.arrive $0xFFFF  }
0x31: {  	_ =	shalt  }

</sc_bundles>
